<compile_context>
chip_gen: v7x
topology: tpu7x:2x2x1
jax: 0.10.2.dev20260603
libtpu: 0.0.44.dev20260713+nightly
codegen_flags: <defaults>
</compile_context>

<pallas_src>
import functools
import math

import numpy as np
import jax
import jax.numpy as jnp
from jax import lax
from jax.experimental import pallas as pl
from jax.experimental.pallas import tpu as pltpu
from jax.experimental.pallas import tpu_sc as plsc

B = 4
H = 224
NSEG = 196
NPAD = 208
NW = 32
WPI = 8
PROC_ROWS = H // WPI
WIN_ROWS = 32
SQRT3 = math.sqrt(3.0)
SQRT96 = math.sqrt(96.0)


def _resize_matrix_np(in_n, out_n):
    ys = np.linspace(0.0, in_n - 1.0, out_n, dtype=np.float32)
    y0 = np.floor(ys).astype(np.int32)
    y1 = np.clip(y0 + 1, 0, in_n - 1)
    wy = (ys - y0.astype(np.float32)).astype(np.float32)
    m = np.zeros((out_n, in_n), dtype=np.float32)
    m[np.arange(out_n), y0] += 1.0 - wy
    m[np.arange(out_n), y1] += wy
    return m


_RY = _resize_matrix_np(56, 224)



def _stage_a_body(in_ref, feat_ref, ry_ref, ryt_ref, o1_ref, o2_ref):
    ry = ry_ref[...]
    ryt = ryt_ref[...]
    for b in range(B):
        o1_ref[b] = jnp.sum(in_ref[b], axis=0)
        fb = jnp.sum(feat_ref[b], axis=2)
        t = lax.dot(ry, fb, precision=lax.Precision.HIGHEST,
                    preferred_element_type=jnp.float32)
        o2_ref[b] = lax.dot(t, ryt, precision=lax.Precision.HIGHEST,
                            preferred_element_type=jnp.float32)


_stage_a = pl.pallas_call(
    _stage_a_body,
    out_shape=[
        jax.ShapeDtypeStruct((B, H, H), jnp.float32),
        jax.ShapeDtypeStruct((B, H, H), jnp.float32),
    ],
)



_sc_mesh = plsc.VectorSubcoreMesh(core_axis_name="c", subcore_axis_name="s")


@functools.partial(
    pl.kernel,
    mesh=_sc_mesh,
    compiler_params=pltpu.CompilerParams(needs_layout_passes=False),
    out_type=jax.ShapeDtypeStruct((NW, 3 * NPAD), jnp.float32),
    scratch_types=(
        pltpu.VMEM((WIN_ROWS, H), jnp.int32),
        pltpu.VMEM((WIN_ROWS, H), jnp.float32),
        pltpu.VMEM((WIN_ROWS, H), jnp.float32),
        pltpu.VMEM((3 * NPAD,), jnp.float32),
        pltpu.SemaphoreType.DMA,
    ),
)
def _sc_segment_sums(seg_hbm, v1_hbm, v2_hbm, out_hbm,
                     seg_s, v1_s, v2_s, acc, sem):
    wid = lax.axis_index("s") * 2 + lax.axis_index("c")
    b = wid // WPI
    chunk = wid % WPI
    d = 4 * (chunk % 2)
    r0 = pl.multiple_of(PROC_ROWS * chunk - d, 8)
    rs = pl.ds(r0, WIN_ROWS)
    cps = [
        pltpu.async_copy(seg_hbm.at[b, 0, rs, :], seg_s, sem),
        pltpu.async_copy(v1_hbm.at[b, rs, :], v1_s, sem),
        pltpu.async_copy(v2_hbm.at[b, rs, :], v2_s, sem),
    ]

    zeros16 = jnp.zeros((16,), jnp.float32)

    def zero_body(i, c):
        acc[pl.ds(i * 16, 16)] = zeros16
        return c

    lax.fori_loop(0, 3 * NPAD // 16, zero_body, 0)
    for cp in cps:
        cp.wait()

    ones16 = jnp.ones((16,), jnp.float32)
    off1 = jnp.full((16,), NPAD, jnp.int32)
    off2 = jnp.full((16,), 2 * NPAD, jnp.int32)
    GRP = 7

    def row_body(r, c):
        rr = r + d
        for g in range(H // 16 // GRP):
            sls = [pl.ds((g * GRP + j) * 16, 16) for j in range(GRP)]
            idxs = [seg_s[rr, sl] for sl in sls]
            v1l = [v1_s[rr, sl] for sl in sls]
            v2l = [v2_s[rr, sl] for sl in sls]
            for j in range(GRP):
                plsc.addupdate_scatter(acc, [idxs[j]], v1l[j])
                plsc.addupdate_scatter(acc, [idxs[j] + off1], v2l[j])
                plsc.addupdate_scatter(acc, [idxs[j] + off2], ones16)
        return c

    lax.fori_loop(0, PROC_ROWS, row_body, 0)

    pltpu.sync_copy(acc, out_hbm.at[wid])



def _stage_c_body(p_ref, num_ref, out_ref):
    pall = p_ref[...]
    num0 = num_ref[0]
    ri = lax.broadcasted_iota(jnp.int32, (NPAD, NPAD), 0)
    ci = lax.broadcasted_iota(jnp.int32, (NPAD, NPAD), 1)
    valid = (ri < num0) & (ci < num0)
    row_iota = lax.broadcasted_iota(jnp.int32, (1, NPAD), 1)

    m1_rows = []
    m2_rows = []
    for b in range(B):
        grp = jnp.sum(lax.slice(pall, (WPI * b, 0), (WPI * b + WPI, 3 * NPAD)),
                      axis=0, keepdims=True)
        s1r = lax.slice(grp, (0, 0), (1, NPAD))
        s2r = lax.slice(grp, (0, NPAD), (1, 2 * NPAD))
        scr = lax.slice(grp, (0, 2 * NPAD), (1, 3 * NPAD))
        okr = (scr > 0) & (row_iota < num_ref[b])
        m1_rows.append(jnp.where(okr, s1r / (jnp.maximum(scr, 1.0) * 3.0), 0.0))
        m2_rows.append(jnp.where(okr, s2r / (jnp.maximum(scr, 1.0) * 96.0), 0.0))

    m1 = lax.concatenate(m1_rows, 0)
    m2 = lax.concatenate(m2_rows, 0)
    m1t = jnp.transpose(m1)
    m2t = jnp.transpose(m2)

    total = jnp.zeros((), jnp.float32)
    for b in range(B):
        m1r = lax.slice(m1, (b, 0), (b + 1, NPAD))
        m2r = lax.slice(m2, (b, 0), (b + 1, NPAD))
        m1c = lax.slice(m1t, (0, b), (NPAD, b + 1))
        m2c = lax.slice(m2t, (0, b), (NPAD, b + 1))
        d1 = m1c - m1r
        d2 = m2c - m2r
        n1 = jnp.sqrt(jnp.maximum(3.0 * d1 * d1, 1e-24)) / SQRT3
        n2 = jnp.sqrt(jnp.maximum(96.0 * d2 * d2, 1e-24)) / SQRT96
        total = total + jnp.sum(jnp.where(valid, jnp.abs(n2 - n1), 0.0))

    count = (4 * num0 * num0).astype(jnp.float32)
    out_ref[...] = (total / count) * jnp.ones((1, 1), jnp.float32)


_stage_c = pl.pallas_call(
    _stage_c_body,
    in_specs=[pl.BlockSpec(memory_space=pltpu.VMEM),
              pl.BlockSpec(memory_space=pltpu.SMEM)],
    out_shape=jax.ShapeDtypeStruct((1, 1), jnp.float32),
)


def kernel(input, feature, sp, num):
    ry = jnp.asarray(_RY)
    ryt = jnp.asarray(_RY.T)
    xsum1, xsum2 = _stage_a(input, jnp.transpose(feature, (0, 2, 3, 1)), ry, ryt)
    partials = _sc_segment_sums(sp.astype(jnp.int32), xsum1, xsum2)
    out = _stage_c(partials, num.astype(jnp.int32))
    return out[0, 0]

# --- scband reference (transcript-rebuilt; emitter-appended) ---
"""Pipeline reference for scband-consistency-loss-14053132992786 (READ-ONLY COPY).

The authoritative reference and input builder live on the scoring server;
editing this copy changes nothing except your own understanding.
"""

import jax, jax.numpy as jnp
import numpy as np
import math


NMAX = 196


def _resize_bilinear_ac(x, out_h, out_w):
    # bilinear, align_corners=True (matches F.interpolate(..., mode='bilinear', align_corners=True))
    B, C, H, W = x.shape
    ys = jnp.linspace(0.0, H - 1.0, out_h)
    xs = jnp.linspace(0.0, W - 1.0, out_w)
    y0 = jnp.floor(ys).astype(jnp.int32)
    y1 = jnp.clip(y0 + 1, 0, H - 1)
    wy = ys - y0.astype(ys.dtype)
    x0 = jnp.floor(xs).astype(jnp.int32)
    x1 = jnp.clip(x0 + 1, 0, W - 1)
    wx = xs - x0.astype(xs.dtype)
    rows0 = x[:, :, y0, :]
    rows1 = x[:, :, y1, :]
    rows = rows0 * (1.0 - wy)[None, None, :, None] + rows1 * wy[None, None, :, None]
    c0 = rows[:, :, :, x0]
    c1 = rows[:, :, :, x1]
    return c0 * (1.0 - wx)[None, None, None, :] + c1 * wx[None, None, None, :]


def _compute_similarity_matrix(x, sp, num):
    # Faithful to torch: mean_values[i][j] = mean of ALL entries of x[i] where sp[i]==j
    # (sp broadcast over channels), broadcast to a [C] row; nan (empty segment) -> 0;
    # rows j >= num[i] stay 0. Then pairwise L2-distance-based similarity.
    B, C, H, W = x.shape
    seg = sp[:, 0].reshape(B, H * W).astype(jnp.int32)
    xsum = x.reshape(B, C, H * W).sum(axis=1)  # sum over channels per pixel
    ar = jnp.arange(NMAX)
    rows = []
    for i in range(B):
        ni = num[i]
        s = jax.ops.segment_sum(xsum[i], seg[i], num_segments=NMAX)
        cnt = jax.ops.segment_sum(jnp.ones(H * W, dtype=x.dtype), seg[i], num_segments=NMAX)
        mean = jnp.where(cnt > 0, s / (jnp.maximum(cnt, 1.0) * C), 0.0)
        mean = jnp.where(ar < ni, mean, 0.0)
        rows.append(jnp.broadcast_to(mean[:, None], (NMAX, C)))
    mean_values = jnp.stack(rows, axis=0)  # [B, NMAX, C]
    t = mean_values[:, :, None, :]
    diff = t - jnp.transpose(t, (0, 2, 1, 3))
    sq = jnp.sum(diff * diff, axis=-1)
    norm = jnp.sqrt(jnp.maximum(sq, 1e-24))
    return 1.0 - norm / math.sqrt(C)


def setup_inputs(seed: int = 0) -> dict:
    key = jax.random.key(seed)
    k1, k2, k3, k4 = jax.random.split(key, 4)
    inp = jax.random.normal(k1, (4, 3, 224, 224), dtype=jnp.float32)
    feature = jax.random.normal(k2, (4, 96, 56, 56), dtype=jnp.float32)
    sp = jax.random.randint(k3, (4, 1, 224, 224), 0, 196)
    num = jax.random.randint(k4, (4,), 0, 196)
    num = jnp.maximum(num, 1)  # guard against degenerate 0-segment case
    return {"input": inp, "feature": feature, "sp": sp, "num": num}


def reference(input, feature, sp, num):
    feat = _resize_bilinear_ac(feature, int(input.shape[-1]), int(input.shape[-1]))
    mat1 = _compute_similarity_matrix(input, sp, num)
    mat2 = _compute_similarity_matrix(feat, sp, num)
    B = input.shape[0]
    num0 = num[0]
    ar = jnp.arange(NMAX)
    valid = (ar[:, None] < num0) & (ar[None, :] < num0)
    absdiff = jnp.where(valid[None, :, :], jnp.abs(mat1 - mat2), 0.0)
    count = (B * num0 * num0).astype(absdiff.dtype)
    return jnp.sum(absdiff) / count

if __name__ == "__main__":
    import jax
    _d = setup_inputs()
    print(jax.jit(kernel)(*tuple(_d.values())))

</pallas_src>

<mosaic_0001>
#map = affine_map<(d0, d1) -> (0, 0, 0, 0)>
#map1 = affine_map<(d0, d1) -> (0, 0, 0)>
#map2 = affine_map<(d0, d1) -> (0, 0)>
module attributes {stable_mosaic.version = 14 : i64} {
  func.func @_sc_segment_sums(%arg0: i32, %arg1: i32, %arg2: memref<4x1x224x224xi32, #tpu.memory_space<hbm>>, %arg3: memref<4x224x224xf32, #tpu.memory_space<hbm>>, %arg4: memref<4x224x224xf32, #tpu.memory_space<hbm>>, %arg5: memref<32x624xf32, #tpu.memory_space<hbm>>, %arg6: memref<32x224xi32, #tpu.memory_space<vmem>>, %arg7: memref<32x224xf32, #tpu.memory_space<vmem>>, %arg8: memref<32x224xf32, #tpu.memory_space<vmem>>, %arg9: memref<624xf32, #tpu.memory_space<vmem>>, %arg10: memref<!tpu.dma_semaphore, #tpu.memory_space<semaphore_mem>>) attributes {dimension_semantics = [#tpu.dimension_semantics<core_parallel>, #tpu.dimension_semantics<subcore_parallel>], iteration_bounds = array<i64: 2, 16>, scalar_prefetch = 0 : i64, scratch_operands = 5 : i64, tpu.core_type = #tpu.core_type<sc_vector_subcore>, window_params = [{transform_indices = #map}, {transform_indices = #map1}, {transform_indices = #map1}, {transform_indices = #map2}]} {
    %mul3A = arith.constant 2 : i32
    %mul3A_0 = arith.muli %arg1, %mul3A : i32
    %add3A = arith.addi %mul3A_0, %arg0 : i32
    %jit3A = arith.constant 8 : i32
    %div3A = arith.divsi %add3A, %jit3A : i32
    %sign3A = arith.constant 0 : i32
    %sign3A_1 = arith.cmpi sgt, %add3A, %sign3A : i32
    %sign3A_2 = arith.extui %sign3A_1 : i1 to i32
    %sign3A_3 = arith.constant 0 : i32
    %sign3A_4 = arith.cmpi slt, %add3A, %sign3A_3 : i32
    %sign3A_5 = arith.extui %sign3A_4 : i1 to i32
    %sign3A_6 = arith.subi %sign3A_2, %sign3A_5 : i32
    %sign3A_7 = arith.constant 0 : i32
    %sign3A_8 = arith.cmpi sgt, %jit3A, %sign3A_7 : i32
    %sign3A_9 = arith.extui %sign3A_8 : i1 to i32
    %sign3A_10 = arith.constant 0 : i32
    %sign3A_11 = arith.cmpi slt, %jit3A, %sign3A_10 : i32
    %sign3A_12 = arith.extui %sign3A_11 : i1 to i32
    %sign3A_13 = arith.subi %sign3A_9, %sign3A_12 : i32
    %ne3A = arith.cmpi ne, %sign3A_6, %sign3A_13 : i32
    %rem3A = arith.remsi %add3A, %jit3A : i32
    %ne3A_14 = arith.constant 0 : i32
    %ne3A_15 = arith.cmpi ne, %rem3A, %ne3A_14 : i32
    %and3A = arith.andi %ne3A, %ne3A_15 : i1
    %sub3A = arith.constant 1 : i32
    %sub3A_16 = arith.subi %div3A, %sub3A : i32
    %select_n3A = arith.select %and3A, %sub3A_16, %div3A : i32
    %jit3A_17 = arith.constant 8 : i32
    %eq3A = arith.constant 0 : i32
    %eq3A_18 = arith.cmpi eq, %jit3A_17, %eq3A : i32
    %jit3A_19 = arith.constant 1 : i32
    %select_n3A_20 = arith.select %eq3A_18, %jit3A_19, %jit3A_17 : i32
    %rem3A_21 = arith.remsi %add3A, %select_n3A_20 : i32
    %ne3A_22 = arith.constant 0 : i32
    %ne3A_23 = arith.cmpi ne, %rem3A_21, %ne3A_22 : i32
    %lt3A = arith.constant 0 : i32
    %lt3A_24 = arith.cmpi slt, %rem3A_21, %lt3A : i32
    %lt3A_25 = arith.constant 0 : i32
    %lt3A_26 = arith.cmpi slt, %select_n3A_20, %lt3A_25 : i32
    %ne3A_27 = arith.xori %lt3A_24, %lt3A_26 : i1
    %and3A_28 = arith.andi %ne3A_27, %ne3A_23 : i1
    %add3A_29 = arith.addi %rem3A_21, %select_n3A_20 : i32
    %select_n3A_30 = arith.select %and3A_28, %add3A_29, %rem3A_21 : i32
    %jit3A_31 = arith.constant 2 : i32
    %eq3A_32 = arith.constant 0 : i32
    %eq3A_33 = arith.cmpi eq, %jit3A_31, %eq3A_32 : i32
    %jit3A_34 = arith.constant 1 : i32
    %select_n3A_35 = arith.select %eq3A_33, %jit3A_34, %jit3A_31 : i32
    %rem3A_36 = arith.remsi %select_n3A_30, %select_n3A_35 : i32
    %ne3A_37 = arith.constant 0 : i32
    %ne3A_38 = arith.cmpi ne, %rem3A_36, %ne3A_37 : i32
    %lt3A_39 = arith.constant 0 : i32
    %lt3A_40 = arith.cmpi slt, %rem3A_36, %lt3A_39 : i32
    %lt3A_41 = arith.constant 0 : i32
    %lt3A_42 = arith.cmpi slt, %select_n3A_35, %lt3A_41 : i32
    %ne3A_43 = arith.xori %lt3A_40, %lt3A_42 : i1
    %and3A_44 = arith.andi %ne3A_43, %ne3A_38 : i1
    %add3A_45 = arith.addi %rem3A_36, %select_n3A_35 : i32
    %select_n3A_46 = arith.select %and3A_44, %add3A_45, %rem3A_36 : i32
    %mul3A_47 = arith.constant 4 : i32
    %mul3A_48 = arith.muli %mul3A_47, %select_n3A_46 : i32
    %mul3A_49 = arith.constant 28 : i32
    %mul3A_50 = arith.muli %mul3A_49, %select_n3A_30 : i32
    %sub3A_51 = arith.subi %mul3A_50, %mul3A_48 : i32
    %multiple_of3A = tpu.assume_multiple %sub3A_51, 8 : i32
    %dma_start3A = arith.constant 0 : i32
    %dma_start3A_52 = arith.constant 0 : i32
    %dma_start3A_53 = tpu.memref_slice %arg2[%select_n3A, %dma_start3A, %multiple_of3A, %dma_start3A_52] : memref<4x1x224x224xi32, #tpu.memory_space<hbm>> -> memref<1x1x32x224xi32, #tpu.memory_space<hbm>>
    %dma_start3A_54 = tpu.memref_squeeze %dma_start3A_53 : memref<1x1x32x224xi32, #tpu.memory_space<hbm>> -> memref<32x224xi32, #tpu.memory_space<hbm>>
    %dma_start3A_55 = arith.constant 0 : i32
    %dma_start3A_56 = tpu.memref_slice %arg2[%select_n3A, %dma_start3A, %multiple_of3A, %dma_start3A_55] : memref<4x1x224x224xi32, #tpu.memory_space<hbm>> -> memref<1x1x32x224xi32, #tpu.memory_space<hbm>>
    %dma_start3A_57 = tpu.memref_squeeze %dma_start3A_56 : memref<1x1x32x224xi32, #tpu.memory_space<hbm>> -> memref<32x224xi32, #tpu.memory_space<hbm>>
    tpu.enqueue_dma source(%dma_start3A_57 : memref<32x224xi32, #tpu.memory_space<hbm>>) target(%arg6 : memref<32x224xi32, #tpu.memory_space<vmem>>) target_semaphore(%arg10 : memref<!tpu.dma_semaphore, #tpu.memory_space<semaphore_mem>>)
    %dma_start3A_58 = arith.constant 0 : i32
    %dma_start3A_59 = tpu.memref_slice %arg3[%select_n3A, %multiple_of3A, %dma_start3A_58] : memref<4x224x224xf32, #tpu.memory_space<hbm>> -> memref<1x32x224xf32, #tpu.memory_space<hbm>>
    %dma_start3A_60 = tpu.memref_squeeze %dma_start3A_59 : memref<1x32x224xf32, #tpu.memory_space<hbm>> -> memref<32x224xf32, #tpu.memory_space<hbm>>
    %dma_start3A_61 = arith.constant 0 : i32
    %dma_start3A_62 = tpu.memref_slice %arg3[%select_n3A, %multiple_of3A, %dma_start3A_61] : memref<4x224x224xf32, #tpu.memory_space<hbm>> -> memref<1x32x224xf32, #tpu.memory_space<hbm>>
    %dma_start3A_63 = tpu.memref_squeeze %dma_start3A_62 : memref<1x32x224xf32, #tpu.memory_space<hbm>> -> memref<32x224xf32, #tpu.memory_space<hbm>>
    tpu.enqueue_dma source(%dma_start3A_63 : memref<32x224xf32, #tpu.memory_space<hbm>>) target(%arg7 : memref<32x224xf32, #tpu.memory_space<vmem>>) target_semaphore(%arg10 : memref<!tpu.dma_semaphore, #tpu.memory_space<semaphore_mem>>)
    %dma_start3A_64 = arith.constant 0 : i32
    %dma_start3A_65 = tpu.memref_slice %arg4[%select_n3A, %multiple_of3A, %dma_start3A_64] : memref<4x224x224xf32, #tpu.memory_space<hbm>> -> memref<1x32x224xf32, #tpu.memory_space<hbm>>
    %dma_start3A_66 = tpu.memref_squeeze %dma_start3A_65 : memref<1x32x224xf32, #tpu.memory_space<hbm>> -> memref<32x224xf32, #tpu.memory_space<hbm>>
    %dma_start3A_67 = arith.constant 0 : i32
    %dma_start3A_68 = tpu.memref_slice %arg4[%select_n3A, %multiple_of3A, %dma_start3A_67] : memref<4x224x224xf32, #tpu.memory_space<hbm>> -> memref<1x32x224xf32, #tpu.memory_space<hbm>>
    %dma_start3A_69 = tpu.memref_squeeze %dma_start3A_68 : memref<1x32x224xf32, #tpu.memory_space<hbm>> -> memref<32x224xf32, #tpu.memory_space<hbm>>
    tpu.enqueue_dma source(%dma_start3A_69 : memref<32x224xf32, #tpu.memory_space<hbm>>) target(%arg8 : memref<32x224xf32, #tpu.memory_space<vmem>>) target_semaphore(%arg10 : memref<!tpu.dma_semaphore, #tpu.memory_space<semaphore_mem>>)
    %broadcast_in_dim3A = arith.constant 0.000000e+00 : f32
    %broadcast_in_dim3A_70 = vector.broadcast %broadcast_in_dim3A : f32 to vector<16xf32>
    %scan3A = arith.constant 0 : i32
    %scan3A_71 = arith.constant 0 : i32
    %scan3A_72 = arith.constant 39 : i32
    %scan3A_73 = arith.addi %scan3A_71, %scan3A_72 : i32
    %scan3A_74 = arith.constant 1 : i32
    scf.for %scan3A_106 = %scan3A_71 to %scan3A_73 step %scan3A_74  : i32 {
      %mul3A_107 = arith.constant 16 : i32
      %mul3A_108 = arith.muli %scan3A_106, %mul3A_107 : i32
      %swap3A = arith.index_cast %mul3A_108 : i32 to index
      %swap3A_109 = tpu.vector_load %arg9[%swap3A] {strides = array<i32>} : memref<624xf32, #tpu.memory_space<vmem>>, vector<16xf32>,
      tpu.vector_store %arg9[%swap3A], %broadcast_in_dim3A_70 {strides = array<i32>} : memref<624xf32, #tpu.memory_space<vmem>>, vector<16xf32>,
    }
    %scan3A_75 = arith.constant 39 : i32
    %dma_wait3A = arith.constant 0 : i32
    %dma_wait3A_76 = arith.constant 0 : i32
    %dma_wait3A_77 = tpu.memref_slice %arg2[%select_n3A, %dma_wait3A, %multiple_of3A, %dma_wait3A_76] : memref<4x1x224x224xi32, #tpu.memory_space<hbm>> -> memref<1x1x32x224xi32, #tpu.memory_space<hbm>>
    %dma_wait3A_78 = tpu.memref_squeeze %dma_wait3A_77 : memref<1x1x32x224xi32, #tpu.memory_space<hbm>> -> memref<32x224xi32, #tpu.memory_space<hbm>>
    %dma_wait3A_79 = arith.constant 0 : i32
    %dma_wait3A_80 = tpu.memref_slice %arg2[%select_n3A, %dma_wait3A, %multiple_of3A, %dma_wait3A_79] : memref<4x1x224x224xi32, #tpu.memory_space<hbm>> -> memref<1x1x32x224xi32, #tpu.memory_space<hbm>>
    %dma_wait3A_81 = tpu.memref_squeeze %dma_wait3A_80 : memref<1x1x32x224xi32, #tpu.memory_space<hbm>> -> memref<32x224xi32, #tpu.memory_space<hbm>>
    tpu.wait_dma2 semaphore(%arg10 : memref<!tpu.dma_semaphore, #tpu.memory_space<semaphore_mem>>) src(%dma_wait3A_81 : memref<32x224xi32, #tpu.memory_space<hbm>>) dst(%arg6 : memref<32x224xi32, #tpu.memory_space<vmem>>)
    %dma_wait3A_82 = arith.constant 0 : i32
    %dma_wait3A_83 = tpu.memref_slice %arg3[%select_n3A, %multiple_of3A, %dma_wait3A_82] : memref<4x224x224xf32, #tpu.memory_space<hbm>> -> memref<1x32x224xf32, #tpu.memory_space<hbm>>
    %dma_wait3A_84 = tpu.memref_squeeze %dma_wait3A_83 : memref<1x32x224xf32, #tpu.memory_space<hbm>> -> memref<32x224xf32, #tpu.memory_space<hbm>>
    %dma_wait3A_85 = arith.constant 0 : i32
    %dma_wait3A_86 = tpu.memref_slice %arg3[%select_n3A, %multiple_of3A, %dma_wait3A_85] : memref<4x224x224xf32, #tpu.memory_space<hbm>> -> memref<1x32x224xf32, #tpu.memory_space<hbm>>
    %dma_wait3A_87 = tpu.memref_squeeze %dma_wait3A_86 : memref<1x32x224xf32, #tpu.memory_space<hbm>> -> memref<32x224xf32, #tpu.memory_space<hbm>>
    tpu.wait_dma2 semaphore(%arg10 : memref<!tpu.dma_semaphore, #tpu.memory_space<semaphore_mem>>) src(%dma_wait3A_87 : memref<32x224xf32, #tpu.memory_space<hbm>>) dst(%arg7 : memref<32x224xf32, #tpu.memory_space<vmem>>)
    %dma_wait3A_88 = arith.constant 0 : i32
    %dma_wait3A_89 = tpu.memref_slice %arg4[%select_n3A, %multiple_of3A, %dma_wait3A_88] : memref<4x224x224xf32, #tpu.memory_space<hbm>> -> memref<1x32x224xf32, #tpu.memory_space<hbm>>
    %dma_wait3A_90 = tpu.memref_squeeze %dma_wait3A_89 : memref<1x32x224xf32, #tpu.memory_space<hbm>> -> memref<32x224xf32, #tpu.memory_space<hbm>>
    %dma_wait3A_91 = arith.constant 0 : i32
    %dma_wait3A_92 = tpu.memref_slice %arg4[%select_n3A, %multiple_of3A, %dma_wait3A_91] : memref<4x224x224xf32, #tpu.memory_space<hbm>> -> memref<1x32x224xf32, #tpu.memory_space<hbm>>
    %dma_wait3A_93 = tpu.memref_squeeze %dma_wait3A_92 : memref<1x32x224xf32, #tpu.memory_space<hbm>> -> memref<32x224xf32, #tpu.memory_space<hbm>>
    tpu.wait_dma2 semaphore(%arg10 : memref<!tpu.dma_semaphore, #tpu.memory_space<semaphore_mem>>) src(%dma_wait3A_93 : memref<32x224xf32, #tpu.memory_space<hbm>>) dst(%arg8 : memref<32x224xf32, #tpu.memory_space<vmem>>)
    %broadcast_in_dim3A_94 = arith.constant 1.000000e+00 : f32
    %broadcast_in_dim3A_95 = vector.broadcast %broadcast_in_dim3A_94 : f32 to vector<16xf32>
    %broadcast_in_dim3A_96 = arith.constant 208 : i32
    %broadcast_in_dim3A_97 = vector.broadcast %broadcast_in_dim3A_96 : i32 to vector<16xi32>
    %broadcast_in_dim3A_98 = arith.constant 416 : i32
    %broadcast_in_dim3A_99 = vector.broadcast %broadcast_in_dim3A_98 : i32 to vector<16xi32>
    %scan3A_100 = arith.constant 0 : i32
    %scan3A_101 = arith.constant 0 : i32
    %scan3A_102 = arith.constant 28 : i32
    %scan3A_103 = arith.addi %scan3A_101, %scan3A_102 : i32
    %scan3A_104 = arith.constant 1 : i32
    scf.for %scan3A_106 = %scan3A_101 to %scan3A_103 step %scan3A_104  : i32 {
      %add3A_107 = arith.addi %scan3A_106, %mul3A_48 : i32
      %get3A = arith.index_cast %add3A_107 : i32 to index
      %get3A_108 = arith.constant 0 : index
      %get3A_109 = tpu.vector_load %arg6[%get3A, %get3A_108] {strides = array<i32>} : memref<32x224xi32, #tpu.memory_space<vmem>>, vector<16xi32>,
      %get3A_110 = arith.index_cast %add3A_107 : i32 to index
      %get3A_111 = arith.constant 16 : index
      %get3A_112 = tpu.vector_load %arg6[%get3A_110, %get3A_111] {strides = array<i32>} : memref<32x224xi32, #tpu.memory_space<vmem>>, vector<16xi32>,
      %get3A_113 = arith.index_cast %add3A_107 : i32 to index
      %get3A_114 = arith.constant 32 : index
      %get3A_115 = tpu.vector_load %arg6[%get3A_113, %get3A_114] {strides = array<i32>} : memref<32x224xi32, #tpu.memory_space<vmem>>, vector<16xi32>,
      %get3A_116 = arith.index_cast %add3A_107 : i32 to index
      %get3A_117 = arith.constant 48 : index
      %get3A_118 = tpu.vector_load %arg6[%get3A_116, %get3A_117] {strides = array<i32>} : memref<32x224xi32, #tpu.memory_space<vmem>>, vector<16xi32>,
      %get3A_119 = arith.index_cast %add3A_107 : i32 to index
      %get3A_120 = arith.constant 64 : index
      %get3A_121 = tpu.vector_load %arg6[%get3A_119, %get3A_120] {strides = array<i32>} : memref<32x224xi32, #tpu.memory_space<vmem>>, vector<16xi32>,
      %get3A_122 = arith.index_cast %add3A_107 : i32 to index
      %get3A_123 = arith.constant 80 : index
      %get3A_124 = tpu.vector_load %arg6[%get3A_122, %get3A_123] {strides = array<i32>} : memref<32x224xi32, #tpu.memory_space<vmem>>, vector<16xi32>,
      %get3A_125 = arith.index_cast %add3A_107 : i32 to index
      %get3A_126 = arith.constant 96 : index
      %get3A_127 = tpu.vector_load %arg6[%get3A_125, %get3A_126] {strides = array<i32>} : memref<32x224xi32, #tpu.memory_space<vmem>>, vector<16xi32>,
      %get3A_128 = arith.index_cast %add3A_107 : i32 to index
      %get3A_129 = arith.constant 0 : index
      %get3A_130 = tpu.vector_load %arg7[%get3A_128, %get3A_129] {strides = array<i32>} : memref<32x224xf32, #tpu.memory_space<vmem>>, vector<16xf32>,
      %get3A_131 = arith.index_cast %add3A_107 : i32 to index
      %get3A_132 = arith.constant 16 : index
      %get3A_133 = tpu.vector_load %arg7[%get3A_131, %get3A_132] {strides = array<i32>} : memref<32x224xf32, #tpu.memory_space<vmem>>, vector<16xf32>,
      %get3A_134 = arith.index_cast %add3A_107 : i32 to index
      %get3A_135 = arith.constant 32 : index
      %get3A_136 = tpu.vector_load %arg7[%get3A_134, %get3A_135] {strides = array<i32>} : memref<32x224xf32, #tpu.memory_space<vmem>>, vector<16xf32>,
      %get3A_137 = arith.index_cast %add3A_107 : i32 to index
      %get3A_138 = arith.constant 48 : index
      %get3A_139 = tpu.vector_load %arg7[%get3A_137, %get3A_138] {strides = array<i32>} : memref<32x224xf32, #tpu.memory_space<vmem>>, vector<16xf32>,
      %get3A_140 = arith.index_cast %add3A_107 : i32 to index
      %get3A_141 = arith.constant 64 : index
      %get3A_142 = tpu.vector_load %arg7[%get3A_140, %get3A_141] {strides = array<i32>} : memref<32x224xf32, #tpu.memory_space<vmem>>, vector<16xf32>,
      %get3A_143 = arith.index_cast %add3A_107 : i32 to index
      %get3A_144 = arith.constant 80 : index
      %get3A_145 = tpu.vector_load %arg7[%get3A_143, %get3A_144] {strides = array<i32>} : memref<32x224xf32, #tpu.memory_space<vmem>>, vector<16xf32>,
      %get3A_146 = arith.index_cast %add3A_107 : i32 to index
      %get3A_147 = arith.constant 96 : index
      %get3A_148 = tpu.vector_load %arg7[%get3A_146, %get3A_147] {strides = array<i32>} : memref<32x224xf32, #tpu.memory_space<vmem>>, vector<16xf32>,
      %get3A_149 = arith.index_cast %add3A_107 : i32 to index
      %get3A_150 = arith.constant 0 : index
      %get3A_151 = tpu.vector_load %arg8[%get3A_149, %get3A_150] {strides = array<i32>} : memref<32x224xf32, #tpu.memory_space<vmem>>, vector<16xf32>,
      %get3A_152 = arith.index_cast %add3A_107 : i32 to index
      %get3A_153 = arith.constant 16 : index
      %get3A_154 = tpu.vector_load %arg8[%get3A_152, %get3A_153] {strides = array<i32>} : memref<32x224xf32, #tpu.memory_space<vmem>>, vector<16xf32>,
      %get3A_155 = arith.index_cast %add3A_107 : i32 to index
      %get3A_156 = arith.constant 32 : index
      %get3A_157 = tpu.vector_load %arg8[%get3A_155, %get3A_156] {strides = array<i32>} : memref<32x224xf32, #tpu.memory_space<vmem>>, vector<16xf32>,
      %get3A_158 = arith.index_cast %add3A_107 : i32 to index
      %get3A_159 = arith.constant 48 : index
      %get3A_160 = tpu.vector_load %arg8[%get3A_158, %get3A_159] {strides = array<i32>} : memref<32x224xf32, #tpu.memory_space<vmem>>, vector<16xf32>,
      %get3A_161 = arith.index_cast %add3A_107 : i32 to index
      %get3A_162 = arith.constant 64 : index
      %get3A_163 = tpu.vector_load %arg8[%get3A_161, %get3A_162] {strides = array<i32>} : memref<32x224xf32, #tpu.memory_space<vmem>>, vector<16xf32>,
      %get3A_164 = arith.index_cast %add3A_107 : i32 to index
      %get3A_165 = arith.constant 80 : index
      %get3A_166 = tpu.vector_load %arg8[%get3A_164, %get3A_165] {strides = array<i32>} : memref<32x224xf32, #tpu.memory_space<vmem>>, vector<16xf32>,
      %get3A_167 = arith.index_cast %add3A_107 : i32 to index
      %get3A_168 = arith.constant 96 : index
      %get3A_169 = tpu.vector_load %arg8[%get3A_167, %get3A_168] {strides = array<i32>} : memref<32x224xf32, #tpu.memory_space<vmem>>, vector<16xf32>,
      tpu.vector_store_idx %arg9[%get3A_109], %get3A_130 {add = true} : memref<624xf32, #tpu.memory_space<vmem>>[vector<16xi32>], vector<16xf32>,
      %add3A_170 = arith.addi %get3A_109, %broadcast_in_dim3A_97 : vector<16xi32>
      tpu.vector_store_idx %arg9[%add3A_170], %get3A_151 {add = true} : memref<624xf32, #tpu.memory_space<vmem>>[vector<16xi32>], vector<16xf32>,
      %add3A_171 = arith.addi %get3A_109, %broadcast_in_dim3A_99 : vector<16xi32>
      tpu.vector_store_idx %arg9[%add3A_171], %broadcast_in_dim3A_95 {add = true} : memref<624xf32, #tpu.memory_space<vmem>>[vector<16xi32>], vector<16xf32>,
      tpu.vector_store_idx %arg9[%get3A_112], %get3A_133 {add = true} : memref<624xf32, #tpu.memory_space<vmem>>[vector<16xi32>], vector<16xf32>,
      %add3A_172 = arith.addi %get3A_112, %broadcast_in_dim3A_97 : vector<16xi32>
      tpu.vector_store_idx %arg9[%add3A_172], %get3A_154 {add = true} : memref<624xf32, #tpu.memory_space<vmem>>[vector<16xi32>], vector<16xf32>,
      %add3A_173 = arith.addi %get3A_112, %broadcast_in_dim3A_99 : vector<16xi32>
      tpu.vector_store_idx %arg9[%add3A_173], %broadcast_in_dim3A_95 {add = true} : memref<624xf32, #tpu.memory_space<vmem>>[vector<16xi32>], vector<16xf32>,
      tpu.vector_store_idx %arg9[%get3A_115], %get3A_136 {add = true} : memref<624xf32, #tpu.memory_space<vmem>>[vector<16xi32>], vector<16xf32>,
      %add3A_174 = arith.addi %get3A_115, %broadcast_in_dim3A_97 : vector<16xi32>
      tpu.vector_store_idx %arg9[%add3A_174], %get3A_157 {add = true} : memref<624xf32, #tpu.memory_space<vmem>>[vector<16xi32>], vector<16xf32>,
      %add3A_175 = arith.addi %get3A_115, %broadcast_in_dim3A_99 : vector<16xi32>
      tpu.vector_store_idx %arg9[%add3A_175], %broadcast_in_dim3A_95 {add = true} : memref<624xf32, #tpu.memory_space<vmem>>[vector<16xi32>], vector<16xf32>,
      tpu.vector_store_idx %arg9[%get3A_118], %get3A_139 {add = true} : memref<624xf32, #tpu.memory_space<vmem>>[vector<16xi32>], vector<16xf32>,
      %add3A_176 = arith.addi %get3A_118, %broadcast_in_dim3A_97 : vector<16xi32>
      tpu.vector_store_idx %arg9[%add3A_176], %get3A_160 {add = true} : memref<624xf32, #tpu.memory_space<vmem>>[vector<16xi32>], vector<16xf32>,
      %add3A_177 = arith.addi %get3A_118, %broadcast_in_dim3A_99 : vector<16xi32>
      tpu.vector_store_idx %arg9[%add3A_177], %broadcast_in_dim3A_95 {add = true} : memref<624xf32, #tpu.memory_space<vmem>>[vector<16xi32>], vector<16xf32>,
      tpu.vector_store_idx %arg9[%get3A_121], %get3A_142 {add = true} : memref<624xf32, #tpu.memory_space<vmem>>[vector<16xi32>], vector<16xf32>,
      %add3A_178 = arith.addi %get3A_121, %broadcast_in_dim3A_97 : vector<16xi32>
      tpu.vector_store_idx %arg9[%add3A_178], %get3A_163 {add = true} : memref<624xf32, #tpu.memory_space<vmem>>[vector<16xi32>], vector<16xf32>,
      %add3A_179 = arith.addi %get3A_121, %broadcast_in_dim3A_99 : vector<16xi32>
      tpu.vector_store_idx %arg9[%add3A_179], %broadcast_in_dim3A_95 {add = true} : memref<624xf32, #tpu.memory_space<vmem>>[vector<16xi32>], vector<16xf32>,
      tpu.vector_store_idx %arg9[%get3A_124], %get3A_145 {add = true} : memref<624xf32, #tpu.memory_space<vmem>>[vector<16xi32>], vector<16xf32>,
      %add3A_180 = arith.addi %get3A_124, %broadcast_in_dim3A_97 : vector<16xi32>
      tpu.vector_store_idx %arg9[%add3A_180], %get3A_166 {add = true} : memref<624xf32, #tpu.memory_space<vmem>>[vector<16xi32>], vector<16xf32>,
      %add3A_181 = arith.addi %get3A_124, %broadcast_in_dim3A_99 : vector<16xi32>
      tpu.vector_store_idx %arg9[%add3A_181], %broadcast_in_dim3A_95 {add = true} : memref<624xf32, #tpu.memory_space<vmem>>[vector<16xi32>], vector<16xf32>,
      tpu.vector_store_idx %arg9[%get3A_127], %get3A_148 {add = true} : memref<624xf32, #tpu.memory_space<vmem>>[vector<16xi32>], vector<16xf32>,
      %add3A_182 = arith.addi %get3A_127, %broadcast_in_dim3A_97 : vector<16xi32>
      tpu.vector_store_idx %arg9[%add3A_182], %get3A_169 {add = true} : memref<624xf32, #tpu.memory_space<vmem>>[vector<16xi32>], vector<16xf32>,
      %add3A_183 = arith.addi %get3A_127, %broadcast_in_dim3A_99 : vector<16xi32>
      tpu.vector_store_idx %arg9[%add3A_183], %broadcast_in_dim3A_95 {add = true} : memref<624xf32, #tpu.memory_space<vmem>>[vector<16xi32>], vector<16xf32>,
      %get3A_184 = arith.index_cast %add3A_107 : i32 to index
      %get3A_185 = arith.constant 112 : index
      %get3A_186 = tpu.vector_load %arg6[%get3A_184, %get3A_185] {strides = array<i32>} : memref<32x224xi32, #tpu.memory_space<vmem>>, vector<16xi32>,
      %get3A_187 = arith.index_cast %add3A_107 : i32 to index
      %get3A_188 = arith.constant 128 : index
      %get3A_189 = tpu.vector_load %arg6[%get3A_187, %get3A_188] {strides = array<i32>} : memref<32x224xi32, #tpu.memory_space<vmem>>, vector<16xi32>,
      %get3A_190 = arith.index_cast %add3A_107 : i32 to index
      %get3A_191 = arith.constant 144 : index
      %get3A_192 = tpu.vector_load %arg6[%get3A_190, %get3A_191] {strides = array<i32>} : memref<32x224xi32, #tpu.memory_space<vmem>>, vector<16xi32>,
      %get3A_193 = arith.index_cast %add3A_107 : i32 to index
      %get3A_194 = arith.constant 160 : index
      %get3A_195 = tpu.vector_load %arg6[%get3A_193, %get3A_194] {strides = array<i32>} : memref<32x224xi32, #tpu.memory_space<vmem>>, vector<16xi32>,
      %get3A_196 = arith.index_cast %add3A_107 : i32 to index
      %get3A_197 = arith.constant 176 : index
      %get3A_198 = tpu.vector_load %arg6[%get3A_196, %get3A_197] {strides = array<i32>} : memref<32x224xi32, #tpu.memory_space<vmem>>, vector<16xi32>,
      %get3A_199 = arith.index_cast %add3A_107 : i32 to index
      %get3A_200 = arith.constant 192 : index
      %get3A_201 = tpu.vector_load %arg6[%get3A_199, %get3A_200] {strides = array<i32>} : memref<32x224xi32, #tpu.memory_space<vmem>>, vector<16xi32>,
      %get3A_202 = arith.index_cast %add3A_107 : i32 to index
      %get3A_203 = arith.constant 208 : index
      %get3A_204 = tpu.vector_load %arg6[%get3A_202, %get3A_203] {strides = array<i32>} : memref<32x224xi32, #tpu.memory_space<vmem>>, vector<16xi32>,
      %get3A_205 = arith.index_cast %add3A_107 : i32 to index
      %get3A_206 = arith.constant 112 : index
      %get3A_207 = tpu.vector_load %arg7[%get3A_205, %get3A_206] {strides = array<i32>} : memref<32x224xf32, #tpu.memory_space<vmem>>, vector<16xf32>,
      %get3A_208 = arith.index_cast %add3A_107 : i32 to index
      %get3A_209 = arith.constant 128 : index
      %get3A_210 = tpu.vector_load %arg7[%get3A_208, %get3A_209] {strides = array<i32>} : memref<32x224xf32, #tpu.memory_space<vmem>>, vector<16xf32>,
      %get3A_211 = arith.index_cast %add3A_107 : i32 to index
      %get3A_212 = arith.constant 144 : index
      %get3A_213 = tpu.vector_load %arg7[%get3A_211, %get3A_212] {strides = array<i32>} : memref<32x224xf32, #tpu.memory_space<vmem>>, vector<16xf32>,
      %get3A_214 = arith.index_cast %add3A_107 : i32 to index
      %get3A_215 = arith.constant 160 : index
      %get3A_216 = tpu.vector_load %arg7[%get3A_214, %get3A_215] {strides = array<i32>} : memref<32x224xf32, #tpu.memory_space<vmem>>, vector<16xf32>,
      %get3A_217 = arith.index_cast %add3A_107 : i32 to index
      %get3A_218 = arith.constant 176 : index
      %get3A_219 = tpu.vector_load %arg7[%get3A_217, %get3A_218] {strides = array<i32>} : memref<32x224xf32, #tpu.memory_space<vmem>>, vector<16xf32>,
      %get3A_220 = arith.index_cast %add3A_107 : i32 to index
      %get3A_221 = arith.constant 192 : index
      %get3A_222 = tpu.vector_load %arg7[%get3A_220, %get3A_221] {strides = array<i32>} : memref<32x224xf32, #tpu.memory_space<vmem>>, vector<16xf32>,
      %get3A_223 = arith.index_cast %add3A_107 : i32 to index
      %get3A_224 = arith.constant 208 : index
      %get3A_225 = tpu.vector_load %arg7[%get3A_223, %get3A_224] {strides = array<i32>} : memref<32x224xf32, #tpu.memory_space<vmem>>, vector<16xf32>,
      %get3A_226 = arith.index_cast %add3A_107 : i32 to index
      %get3A_227 = arith.constant 112 : index
      %get3A_228 = tpu.vector_load %arg8[%get3A_226, %get3A_227] {strides = array<i32>} : memref<32x224xf32, #tpu.memory_space<vmem>>, vector<16xf32>,
      %get3A_229 = arith.index_cast %add3A_107 : i32 to index
      %get3A_230 = arith.constant 128 : index
      %get3A_231 = tpu.vector_load %arg8[%get3A_229, %get3A_230] {strides = array<i32>} : memref<32x224xf32, #tpu.memory_space<vmem>>, vector<16xf32>,
      %get3A_232 = arith.index_cast %add3A_107 : i32 to index
      %get3A_233 = arith.constant 144 : index
      %get3A_234 = tpu.vector_load %arg8[%get3A_232, %get3A_233] {strides = array<i32>} : memref<32x224xf32, #tpu.memory_space<vmem>>, vector<16xf32>,
      %get3A_235 = arith.index_cast %add3A_107 : i32 to index
      %get3A_236 = arith.constant 160 : index
      %get3A_237 = tpu.vector_load %arg8[%get3A_235, %get3A_236] {strides = array<i32>} : memref<32x224xf32, #tpu.memory_space<vmem>>, vector<16xf32>,
      %get3A_238 = arith.index_cast %add3A_107 : i32 to index
      %get3A_239 = arith.constant 176 : index
      %get3A_240 = tpu.vector_load %arg8[%get3A_238, %get3A_239] {strides = array<i32>} : memref<32x224xf32, #tpu.memory_space<vmem>>, vector<16xf32>,
      %get3A_241 = arith.index_cast %add3A_107 : i32 to index
      %get3A_242 = arith.constant 192 : index
      %get3A_243 = tpu.vector_load %arg8[%get3A_241, %get3A_242] {strides = array<i32>} : memref<32x224xf32, #tpu.memory_space<vmem>>, vector<16xf32>,
      %get3A_244 = arith.index_cast %add3A_107 : i32 to index
      %get3A_245 = arith.constant 208 : index
      %get3A_246 = tpu.vector_load %arg8[%get3A_244, %get3A_245] {strides = array<i32>} : memref<32x224xf32, #tpu.memory_space<vmem>>, vector<16xf32>,
      tpu.vector_store_idx %arg9[%get3A_186], %get3A_207 {add = true} : memref<624xf32, #tpu.memory_space<vmem>>[vector<16xi32>], vector<16xf32>,
      %add3A_247 = arith.addi %get3A_186, %broadcast_in_dim3A_97 : vector<16xi32>
      tpu.vector_store_idx %arg9[%add3A_247], %get3A_228 {add = true} : memref<624xf32, #tpu.memory_space<vmem>>[vector<16xi32>], vector<16xf32>,
      %add3A_248 = arith.addi %get3A_186, %broadcast_in_dim3A_99 : vector<16xi32>
      tpu.vector_store_idx %arg9[%add3A_248], %broadcast_in_dim3A_95 {add = true} : memref<624xf32, #tpu.memory_space<vmem>>[vector<16xi32>], vector<16xf32>,
      tpu.vector_store_idx %arg9[%get3A_189], %get3A_210 {add = true} : memref<624xf32, #tpu.memory_space<vmem>>[vector<16xi32>], vector<16xf32>,
      %add3A_249 = arith.addi %get3A_189, %broadcast_in_dim3A_97 : vector<16xi32>
      tpu.vector_store_idx %arg9[%add3A_249], %get3A_231 {add = true} : memref<624xf32, #tpu.memory_space<vmem>>[vector<16xi32>], vector<16xf32>,
      %add3A_250 = arith.addi %get3A_189, %broadcast_in_dim3A_99 : vector<16xi32>
      tpu.vector_store_idx %arg9[%add3A_250], %broadcast_in_dim3A_95 {add = true} : memref<624xf32, #tpu.memory_space<vmem>>[vector<16xi32>], vector<16xf32>,
      tpu.vector_store_idx %arg9[%get3A_192], %get3A_213 {add = true} : memref<624xf32, #tpu.memory_space<vmem>>[vector<16xi32>], vector<16xf32>,
      %add3A_251 = arith.addi %get3A_192, %broadcast_in_dim3A_97 : vector<16xi32>
      tpu.vector_store_idx %arg9[%add3A_251], %get3A_234 {add = true} : memref<624xf32, #tpu.memory_space<vmem>>[vector<16xi32>], vector<16xf32>,
      %add3A_252 = arith.addi %get3A_192, %broadcast_in_dim3A_99 : vector<16xi32>
      tpu.vector_store_idx %arg9[%add3A_252], %broadcast_in_dim3A_95 {add = true} : memref<624xf32, #tpu.memory_space<vmem>>[vector<16xi32>], vector<16xf32>,
      tpu.vector_store_idx %arg9[%get3A_195], %get3A_216 {add = true} : memref<624xf32, #tpu.memory_space<vmem>>[vector<16xi32>], vector<16xf32>,
      %add3A_253 = arith.addi %get3A_195, %broadcast_in_dim3A_97 : vector<16xi32>
      tpu.vector_store_idx %arg9[%add3A_253], %get3A_237 {add = true} : memref<624xf32, #tpu.memory_space<vmem>>[vector<16xi32>], vector<16xf32>,
      %add3A_254 = arith.addi %get3A_195, %broadcast_in_dim3A_99 : vector<16xi32>
      tpu.vector_store_idx %arg9[%add3A_254], %broadcast_in_dim3A_95 {add = true} : memref<624xf32, #tpu.memory_space<vmem>>[vector<16xi32>], vector<16xf32>,
      tpu.vector_store_idx %arg9[%get3A_198], %get3A_219 {add = true} : memref<624xf32, #tpu.memory_space<vmem>>[vector<16xi32>], vector<16xf32>,
      %add3A_255 = arith.addi %get3A_198, %broadcast_in_dim3A_97 : vector<16xi32>
      tpu.vector_store_idx %arg9[%add3A_255], %get3A_240 {add = true} : memref<624xf32, #tpu.memory_space<vmem>>[vector<16xi32>], vector<16xf32>,
      %add3A_256 = arith.addi %get3A_198, %broadcast_in_dim3A_99 : vector<16xi32>
      tpu.vector_store_idx %arg9[%add3A_256], %broadcast_in_dim3A_95 {add = true} : memref<624xf32, #tpu.memory_space<vmem>>[vector<16xi32>], vector<16xf32>,
      tpu.vector_store_idx %arg9[%get3A_201], %get3A_222 {add = true} : memref<624xf32, #tpu.memory_space<vmem>>[vector<16xi32>], vector<16xf32>,
      %add3A_257 = arith.addi %get3A_201, %broadcast_in_dim3A_97 : vector<16xi32>
      tpu.vector_store_idx %arg9[%add3A_257], %get3A_243 {add = true} : memref<624xf32, #tpu.memory_space<vmem>>[vector<16xi32>], vector<16xf32>,
      %add3A_258 = arith.addi %get3A_201, %broadcast_in_dim3A_99 : vector<16xi32>
      tpu.vector_store_idx %arg9[%add3A_258], %broadcast_in_dim3A_95 {add = true} : memref<624xf32, #tpu.memory_space<vmem>>[vector<16xi32>], vector<16xf32>,
      tpu.vector_store_idx %arg9[%get3A_204], %get3A_225 {add = true} : memref<624xf32, #tpu.memory_space<vmem>>[vector<16xi32>], vector<16xf32>,
      %add3A_259 = arith.addi %get3A_204, %broadcast_in_dim3A_97 : vector<16xi32>
      tpu.vector_store_idx %arg9[%add3A_259], %get3A_246 {add = true} : memref<624xf32, #tpu.memory_space<vmem>>[vector<16xi32>], vector<16xf32>,
      %add3A_260 = arith.addi %get3A_204, %broadcast_in_dim3A_99 : vector<16xi32>
      tpu.vector_store_idx %arg9[%add3A_260], %broadcast_in_dim3A_95 {add = true} : memref<624xf32, #tpu.memory_space<vmem>>[vector<16xi32>], vector<16xf32>,
    }
    %scan3A_105 = arith.constant 28 : i32
    "tpu.region"() ({
      %run_scoped3A = tpu.sem_alloc : memref<!tpu.dma_semaphore, #tpu.memory_space<semaphore_mem>>
      %dma_start3A_106 = arith.constant 0 : i32
      %dma_start3A_107 = tpu.memref_slice %arg5[%add3A, %dma_start3A_106] : memref<32x624xf32, #tpu.memory_space<hbm>> -> memref<1x624xf32, #tpu.memory_space<hbm>>
      %dma_start3A_108 = tpu.memref_squeeze %dma_start3A_107 : memref<1x624xf32, #tpu.memory_space<hbm>> -> memref<624xf32, #tpu.memory_space<hbm>>
      %dma_start3A_109 = arith.constant 0 : i32
      %dma_start3A_110 = tpu.memref_slice %arg5[%add3A, %dma_start3A_109] : memref<32x624xf32, #tpu.memory_space<hbm>> -> memref<1x624xf32, #tpu.memory_space<hbm>>
      %dma_start3A_111 = tpu.memref_squeeze %dma_start3A_110 : memref<1x624xf32, #tpu.memory_space<hbm>> -> memref<624xf32, #tpu.memory_space<hbm>>
      tpu.enqueue_dma source(%arg9 : memref<624xf32, #tpu.memory_space<vmem>>) target(%dma_start3A_111 : memref<624xf32, #tpu.memory_space<hbm>>) target_semaphore(%run_scoped3A : memref<!tpu.dma_semaphore, #tpu.memory_space<semaphore_mem>>)
      %dma_wait3A_112 = arith.constant 0 : i32
      %dma_wait3A_113 = tpu.memref_slice %arg5[%add3A, %dma_wait3A_112] : memref<32x624xf32, #tpu.memory_space<hbm>> -> memref<1x624xf32, #tpu.memory_space<hbm>>
      %dma_wait3A_114 = tpu.memref_squeeze %dma_wait3A_113 : memref<1x624xf32, #tpu.memory_space<hbm>> -> memref<624xf32, #tpu.memory_space<hbm>>
      %dma_wait3A_115 = arith.constant 0 : i32
      %dma_wait3A_116 = tpu.memref_slice %arg5[%add3A, %dma_wait3A_115] : memref<32x624xf32, #tpu.memory_space<hbm>> -> memref<1x624xf32, #tpu.memory_space<hbm>>
      %dma_wait3A_117 = tpu.memref_squeeze %dma_wait3A_116 : memref<1x624xf32, #tpu.memory_space<hbm>> -> memref<624xf32, #tpu.memory_space<hbm>>
      tpu.wait_dma2 semaphore(%run_scoped3A : memref<!tpu.dma_semaphore, #tpu.memory_space<semaphore_mem>>) src(%arg9 : memref<624xf32, #tpu.memory_space<vmem>>) dst(%dma_wait3A_117 : memref<624xf32, #tpu.memory_space<hbm>>)
      tpu.yield
    }) : () -> ()
    return
  }
}

module attributes {stable_mosaic.version = 14 : i64} {
  func.func @_stage_c_body(%arg0: memref<32x624xf32, #tpu.memory_space<vmem>>, %arg1: memref<4xi32, #tpu.memory_space<smem>>, %arg2: memref<1x1xf32, #tpu.memory_space<vmem>>) attributes {dimension_semantics = [], scalar_prefetch = 0 : i64, scratch_operands = 0 : i64, tpu.core_type = #tpu.core_type<tc>} {
    %get3A = arith.constant 0 : index
    %get3A_0 = arith.constant 0 : index
    %get3A_1 = vector.load %arg0[%get3A, %get3A_0] : memref<32x624xf32, #tpu.memory_space<vmem>>, vector<32x624xf32>
    %get3A_2 = arith.constant 0 : index
    %get3A_3 = memref.load %arg1[%get3A_2] : memref<4xi32, #tpu.memory_space<smem>>
    %iota3A = tpu.iota {dimensions = array<i32: 0>} : vector<208x208xi32>
    %iota3A_4 = tpu.iota {dimensions = array<i32: 1>} : vector<208x208xi32>
    %lt3A = vector.broadcast %get3A_3 : i32 to vector<208x208xi32>
    %lt3A_5 = arith.cmpi slt, %iota3A, %lt3A : vector<208x208xi32>
    %lt3A_6 = vector.broadcast %get3A_3 : i32 to vector<208x208xi32>
    %lt3A_7 = arith.cmpi slt, %iota3A_4, %lt3A_6 : vector<208x208xi32>
    %and3A = arith.andi %lt3A_5, %lt3A_7 : vector<208x208xi1>
    %iota3A_8 = tpu.iota {dimensions = array<i32: 1>} : vector<1x208xi32>
    %slice3A = vector.extract_strided_slice %get3A_1 {offsets = [0, 0], sizes = [8, 624], strides = [1, 1]} : vector<32x624xf32> to vector<8x624xf32>
    %reduce_sum3A = arith.constant dense<0.000000e+00> : vector<624xf32>
    %reduce_sum3A_9 = vector.multi_reduction <add>, %slice3A, %reduce_sum3A [0] : vector<8x624xf32> to vector<624xf32>
    %broadcast_in_dim3A = vector.shape_cast %reduce_sum3A_9 : vector<624xf32> to vector<1x624xf32>
    %slice3A_10 = vector.extract_strided_slice %broadcast_in_dim3A {offsets = [0, 0], sizes = [1, 208], strides = [1, 1]} : vector<1x624xf32> to vector<1x208xf32>
    %slice3A_11 = vector.extract_strided_slice %broadcast_in_dim3A {offsets = [0, 208], sizes = [1, 208], strides = [1, 1]} : vector<1x624xf32> to vector<1x208xf32>
    %slice3A_12 = vector.extract_strided_slice %broadcast_in_dim3A {offsets = [0, 416], sizes = [1, 208], strides = [1, 1]} : vector<1x624xf32> to vector<1x208xf32>
    %gt3A = arith.constant 0.000000e+00 : f32
    %gt3A_13 = vector.broadcast %gt3A : f32 to vector<1x208xf32>
    %gt3A_14 = arith.cmpf ogt, %slice3A_12, %gt3A_13 : vector<1x208xf32>
    %get3A_15 = arith.constant 0 : index
    %get3A_16 = memref.load %arg1[%get3A_15] : memref<4xi32, #tpu.memory_space<smem>>
    %lt3A_17 = vector.broadcast %get3A_16 : i32 to vector<1x208xi32>
    %lt3A_18 = arith.cmpi slt, %iota3A_8, %lt3A_17 : vector<1x208xi32>
    %and3A_19 = arith.andi %gt3A_14, %lt3A_18 : vector<1x208xi1>
    %max3A = arith.constant 1.000000e+00 : f32
    %max3A_20 = vector.broadcast %max3A : f32 to vector<1x208xf32>
    %max3A_21 = arith.maximumf %slice3A_12, %max3A_20 : vector<1x208xf32>
    %mul3A = arith.constant 3.000000e+00 : f32
    %mul3A_22 = vector.broadcast %mul3A : f32 to vector<1x208xf32>
    %mul3A_23 = arith.mulf %max3A_21, %mul3A_22 : vector<1x208xf32>
    %div3A = arith.divf %slice3A_10, %mul3A_23 : vector<1x208xf32>
    %jit3A = arith.constant 0.000000e+00 : f32
    %broadcast_in_dim3A_24 = vector.broadcast %jit3A : f32 to vector<1x208xf32>
    %select_n3A = arith.select %and3A_19, %div3A, %broadcast_in_dim3A_24 : vector<1x208xi1>, vector<1x208xf32>
    %max3A_25 = arith.constant 1.000000e+00 : f32
    %max3A_26 = vector.broadcast %max3A_25 : f32 to vector<1x208xf32>
    %max3A_27 = arith.maximumf %slice3A_12, %max3A_26 : vector<1x208xf32>
    %mul3A_28 = arith.constant 9.600000e+01 : f32
    %mul3A_29 = vector.broadcast %mul3A_28 : f32 to vector<1x208xf32>
    %mul3A_30 = arith.mulf %max3A_27, %mul3A_29 : vector<1x208xf32>
    %div3A_31 = arith.divf %slice3A_11, %mul3A_30 : vector<1x208xf32>
    %jit3A_32 = arith.constant 0.000000e+00 : f32
    %broadcast_in_dim3A_33 = vector.broadcast %jit3A_32 : f32 to vector<1x208xf32>
    %select_n3A_34 = arith.select %and3A_19, %div3A_31, %broadcast_in_dim3A_33 : vector<1x208xi1>, vector<1x208xf32>
    %slice3A_35 = vector.extract_strided_slice %get3A_1 {offsets = [8, 0], sizes = [8, 624], strides = [1, 1]} : vector<32x624xf32> to vector<8x624xf32>
    %reduce_sum3A_36 = arith.constant dense<0.000000e+00> : vector<624xf32>
    %reduce_sum3A_37 = vector.multi_reduction <add>, %slice3A_35, %reduce_sum3A_36 [0] : vector<8x624xf32> to vector<624xf32>
    %broadcast_in_dim3A_38 = vector.shape_cast %reduce_sum3A_37 : vector<624xf32> to vector<1x624xf32>
    %slice3A_39 = vector.extract_strided_slice %broadcast_in_dim3A_38 {offsets = [0, 0], sizes = [1, 208], strides = [1, 1]} : vector<1x624xf32> to vector<1x208xf32>
    %slice3A_40 = vector.extract_strided_slice %broadcast_in_dim3A_38 {offsets = [0, 208], sizes = [1, 208], strides = [1, 1]} : vector<1x624xf32> to vector<1x208xf32>
    %slice3A_41 = vector.extract_strided_slice %broadcast_in_dim3A_38 {offsets = [0, 416], sizes = [1, 208], strides = [1, 1]} : vector<1x624xf32> to vector<1x208xf32>
    %gt3A_42 = arith.constant 0.000000e+00 : f32
    %gt3A_43 = vector.broadcast %gt3A_42 : f32 to vector<1x208xf32>
    %gt3A_44 = arith.cmpf ogt, %slice3A_41, %gt3A_43 : vector<1x208xf32>
    %get3A_45 = arith.constant 1 : index
    %get3A_46 = memref.load %arg1[%get3A_45] : memref<4xi32, #tpu.memory_space<smem>>
    %lt3A_47 = vector.broadcast %get3A_46 : i32 to vector<1x208xi32>
    %lt3A_48 = arith.cmpi slt, %iota3A_8, %lt3A_47 : vector<1x208xi32>
    %and3A_49 = arith.andi %gt3A_44, %lt3A_48 : vector<1x208xi1>
    %max3A_50 = arith.constant 1.000000e+00 : f32
    %max3A_51 = vector.broadcast %max3A_50 : f32 to vector<1x208xf32>
    %max3A_52 = arith.maximumf %slice3A_41, %max3A_51 : vector<1x208xf32>
    %mul3A_53 = arith.constant 3.000000e+00 : f32
    %mul3A_54 = vector.broadcast %mul3A_53 : f32 to vector<1x208xf32>
    %mul3A_55 = arith.mulf %max3A_52, %mul3A_54 : vector<1x208xf32>
    %div3A_56 = arith.divf %slice3A_39, %mul3A_55 : vector<1x208xf32>
    %jit3A_57 = arith.constant 0.000000e+00 : f32
    %broadcast_in_dim3A_58 = vector.broadcast %jit3A_57 : f32 to vector<1x208xf32>
    %select_n3A_59 = arith.select %and3A_49, %div3A_56, %broadcast_in_dim3A_58 : vector<1x208xi1>, vector<1x208xf32>
    %max3A_60 = arith.constant 1.000000e+00 : f32
    %max3A_61 = vector.broadcast %max3A_60 : f32 to vector<1x208xf32>
    %max3A_62 = arith.maximumf %slice3A_41, %max3A_61 : vector<1x208xf32>
    %mul3A_63 = arith.constant 9.600000e+01 : f32
    %mul3A_64 = vector.broadcast %mul3A_63 : f32 to vector<1x208xf32>
    %mul3A_65 = arith.mulf %max3A_62, %mul3A_64 : vector<1x208xf32>
    %div3A_66 = arith.divf %slice3A_40, %mul3A_65 : vector<1x208xf32>
    %jit3A_67 = arith.constant 0.000000e+00 : f32
    %broadcast_in_dim3A_68 = vector.broadcast %jit3A_67 : f32 to vector<1x208xf32>
    %select_n3A_69 = arith.select %and3A_49, %div3A_66, %broadcast_in_dim3A_68 : vector<1x208xi1>, vector<1x208xf32>
    %slice3A_70 = vector.extract_strided_slice %get3A_1 {offsets = [16, 0], sizes = [8, 624], strides = [1, 1]} : vector<32x624xf32> to vector<8x624xf32>
    %reduce_sum3A_71 = arith.constant dense<0.000000e+00> : vector<624xf32>
    %reduce_sum3A_72 = vector.multi_reduction <add>, %slice3A_70, %reduce_sum3A_71 [0] : vector<8x624xf32> to vector<624xf32>
    %broadcast_in_dim3A_73 = vector.shape_cast %reduce_sum3A_72 : vector<624xf32> to vector<1x624xf32>
    %slice3A_74 = vector.extract_strided_slice %broadcast_in_dim3A_73 {offsets = [0, 0], sizes = [1, 208], strides = [1, 1]} : vector<1x624xf32> to vector<1x208xf32>
    %slice3A_75 = vector.extract_strided_slice %broadcast_in_dim3A_73 {offsets = [0, 208], sizes = [1, 208], strides = [1, 1]} : vector<1x624xf32> to vector<1x208xf32>
    %slice3A_76 = vector.extract_strided_slice %broadcast_in_dim3A_73 {offsets = [0, 416], sizes = [1, 208], strides = [1, 1]} : vector<1x624xf32> to vector<1x208xf32>
    %gt3A_77 = arith.constant 0.000000e+00 : f32
    %gt3A_78 = vector.broadcast %gt3A_77 : f32 to vector<1x208xf32>
    %gt3A_79 = arith.cmpf ogt, %slice3A_76, %gt3A_78 : vector<1x208xf32>
    %get3A_80 = arith.constant 2 : index
    %get3A_81 = memref.load %arg1[%get3A_80] : memref<4xi32, #tpu.memory_space<smem>>
    %lt3A_82 = vector.broadcast %get3A_81 : i32 to vector<1x208xi32>
    %lt3A_83 = arith.cmpi slt, %iota3A_8, %lt3A_82 : vector<1x208xi32>
    %and3A_84 = arith.andi %gt3A_79, %lt3A_83 : vector<1x208xi1>
    %max3A_85 = arith.constant 1.000000e+00 : f32
    %max3A_86 = vector.broadcast %max3A_85 : f32 to vector<1x208xf32>
    %max3A_87 = arith.maximumf %slice3A_76, %max3A_86 : vector<1x208xf32>
    %mul3A_88 = arith.constant 3.000000e+00 : f32
    %mul3A_89 = vector.broadcast %mul3A_88 : f32 to vector<1x208xf32>
    %mul3A_90 = arith.mulf %max3A_87, %mul3A_89 : vector<1x208xf32>
    %div3A_91 = arith.divf %slice3A_74, %mul3A_90 : vector<1x208xf32>
    %jit3A_92 = arith.constant 0.000000e+00 : f32
    %broadcast_in_dim3A_93 = vector.broadcast %jit3A_92 : f32 to vector<1x208xf32>
    %select_n3A_94 = arith.select %and3A_84, %div3A_91, %broadcast_in_dim3A_93 : vector<1x208xi1>, vector<1x208xf32>
    %max3A_95 = arith.constant 1.000000e+00 : f32
    %max3A_96 = vector.broadcast %max3A_95 : f32 to vector<1x208xf32>
    %max3A_97 = arith.maximumf %slice3A_76, %max3A_96 : vector<1x208xf32>
    %mul3A_98 = arith.constant 9.600000e+01 : f32
    %mul3A_99 = vector.broadcast %mul3A_98 : f32 to vector<1x208xf32>
    %mul3A_100 = arith.mulf %max3A_97, %mul3A_99 : vector<1x208xf32>
    %div3A_101 = arith.divf %slice3A_75, %mul3A_100 : vector<1x208xf32>
    %jit3A_102 = arith.constant 0.000000e+00 : f32
    %broadcast_in_dim3A_103 = vector.broadcast %jit3A_102 : f32 to vector<1x208xf32>
    %select_n3A_104 = arith.select %and3A_84, %div3A_101, %broadcast_in_dim3A_103 : vector<1x208xi1>, vector<1x208xf32>
    %slice3A_105 = vector.extract_strided_slice %get3A_1 {offsets = [24, 0], sizes = [8, 624], strides = [1, 1]} : vector<32x624xf32> to vector<8x624xf32>
    %reduce_sum3A_106 = arith.constant dense<0.000000e+00> : vector<624xf32>
    %reduce_sum3A_107 = vector.multi_reduction <add>, %slice3A_105, %reduce_sum3A_106 [0] : vector<8x624xf32> to vector<624xf32>
    %broadcast_in_dim3A_108 = vector.shape_cast %reduce_sum3A_107 : vector<624xf32> to vector<1x624xf32>
    %slice3A_109 = vector.extract_strided_slice %broadcast_in_dim3A_108 {offsets = [0, 0], sizes = [1, 208], strides = [1, 1]} : vector<1x624xf32> to vector<1x208xf32>
    %slice3A_110 = vector.extract_strided_slice %broadcast_in_dim3A_108 {offsets = [0, 208], sizes = [1, 208], strides = [1, 1]} : vector<1x624xf32> to vector<1x208xf32>
    %slice3A_111 = vector.extract_strided_slice %broadcast_in_dim3A_108 {offsets = [0, 416], sizes = [1, 208], strides = [1, 1]} : vector<1x624xf32> to vector<1x208xf32>
    %gt3A_112 = arith.constant 0.000000e+00 : f32
    %gt3A_113 = vector.broadcast %gt3A_112 : f32 to vector<1x208xf32>
    %gt3A_114 = arith.cmpf ogt, %slice3A_111, %gt3A_113 : vector<1x208xf32>
    %get3A_115 = arith.constant 3 : index
    %get3A_116 = memref.load %arg1[%get3A_115] : memref<4xi32, #tpu.memory_space<smem>>
    %lt3A_117 = vector.broadcast %get3A_116 : i32 to vector<1x208xi32>
    %lt3A_118 = arith.cmpi slt, %iota3A_8, %lt3A_117 : vector<1x208xi32>
    %and3A_119 = arith.andi %gt3A_114, %lt3A_118 : vector<1x208xi1>
    %max3A_120 = arith.constant 1.000000e+00 : f32
    %max3A_121 = vector.broadcast %max3A_120 : f32 to vector<1x208xf32>
    %max3A_122 = arith.maximumf %slice3A_111, %max3A_121 : vector<1x208xf32>
    %mul3A_123 = arith.constant 3.000000e+00 : f32
    %mul3A_124 = vector.broadcast %mul3A_123 : f32 to vector<1x208xf32>
    %mul3A_125 = arith.mulf %max3A_122, %mul3A_124 : vector<1x208xf32>
    %div3A_126 = arith.divf %slice3A_109, %mul3A_125 : vector<1x208xf32>
    %jit3A_127 = arith.constant 0.000000e+00 : f32
    %broadcast_in_dim3A_128 = vector.broadcast %jit3A_127 : f32 to vector<1x208xf32>
    %select_n3A_129 = arith.select %and3A_119, %div3A_126, %broadcast_in_dim3A_128 : vector<1x208xi1>, vector<1x208xf32>
    %max3A_130 = arith.constant 1.000000e+00 : f32
    %max3A_131 = vector.broadcast %max3A_130 : f32 to vector<1x208xf32>
    %max3A_132 = arith.maximumf %slice3A_111, %max3A_131 : vector<1x208xf32>
    %mul3A_133 = arith.constant 9.600000e+01 : f32
    %mul3A_134 = vector.broadcast %mul3A_133 : f32 to vector<1x208xf32>
    %mul3A_135 = arith.mulf %max3A_132, %mul3A_134 : vector<1x208xf32>
    %div3A_136 = arith.divf %slice3A_110, %mul3A_135 : vector<1x208xf32>
    %jit3A_137 = arith.constant 0.000000e+00 : f32
    %broadcast_in_dim3A_138 = vector.broadcast %jit3A_137 : f32 to vector<1x208xf32>
    %select_n3A_139 = arith.select %and3A_119, %div3A_136, %broadcast_in_dim3A_138 : vector<1x208xi1>, vector<1x208xf32>
    %concatenate3A = tpu.concatenate %select_n3A, %select_n3A_59, %select_n3A_94, %select_n3A_129 in 0 : vector<1x208xf32>, vector<1x208xf32>, vector<1x208xf32>, vector<1x208xf32> -> vector<4x208xf32>
    %concatenate3A_140 = tpu.concatenate %select_n3A_34, %select_n3A_69, %select_n3A_104, %select_n3A_139 in 0 : vector<1x208xf32>, vector<1x208xf32>, vector<1x208xf32>, vector<1x208xf32> -> vector<4x208xf32>
    %transpose3A = tpu.transpose %concatenate3A, [1, 0] : vector<4x208xf32> -> vector<208x4xf32>
    %transpose3A_141 = tpu.transpose %concatenate3A_140, [1, 0] : vector<4x208xf32> -> vector<208x4xf32>
    %slice3A_142 = vector.extract_strided_slice %concatenate3A {offsets = [0, 0], sizes = [1, 208], strides = [1, 1]} : vector<4x208xf32> to vector<1x208xf32>
    %slice3A_143 = vector.extract_strided_slice %concatenate3A_140 {offsets = [0, 0], sizes = [1, 208], strides = [1, 1]} : vector<4x208xf32> to vector<1x208xf32>
    %slice3A_144 = vector.extract_strided_slice %transpose3A {offsets = [0, 0], sizes = [208, 1], strides = [1, 1]} : vector<208x4xf32> to vector<208x1xf32>
    %slice3A_145 = vector.extract_strided_slice %transpose3A_141 {offsets = [0, 0], sizes = [208, 1], strides = [1, 1]} : vector<208x4xf32> to vector<208x1xf32>
    %sub3A = vector.broadcast %slice3A_144 : vector<208x1xf32> to vector<208x208xf32>
    %sub3A_146 = vector.broadcast %slice3A_142 : vector<1x208xf32> to vector<208x208xf32>
    %sub3A_147 = arith.subf %sub3A, %sub3A_146 : vector<208x208xf32>
    %sub3A_148 = vector.broadcast %slice3A_145 : vector<208x1xf32> to vector<208x208xf32>
    %sub3A_149 = vector.broadcast %slice3A_143 : vector<1x208xf32> to vector<208x208xf32>
    %sub3A_150 = arith.subf %sub3A_148, %sub3A_149 : vector<208x208xf32>
    %mul3A_151 = arith.constant 3.000000e+00 : f32
    %mul3A_152 = vector.broadcast %mul3A_151 : f32 to vector<208x208xf32>
    %mul3A_153 = arith.mulf %mul3A_152, %sub3A_147 : vector<208x208xf32>
    %mul3A_154 = arith.mulf %mul3A_153, %sub3A_147 : vector<208x208xf32>
    %max3A_155 = arith.constant 1.000000e-24 : f32
    %max3A_156 = vector.broadcast %max3A_155 : f32 to vector<208x208xf32>
    %max3A_157 = arith.maximumf %mul3A_154, %max3A_156 : vector<208x208xf32>
    %sqrt3A = math.sqrt %max3A_157 : vector<208x208xf32>
    %div3A_158 = arith.constant 1.73205078 : f32
    %div3A_159 = vector.broadcast %div3A_158 : f32 to vector<208x208xf32>
    %div3A_160 = arith.divf %sqrt3A, %div3A_159 : vector<208x208xf32>
    %mul3A_161 = arith.constant 9.600000e+01 : f32
    %mul3A_162 = vector.broadcast %mul3A_161 : f32 to vector<208x208xf32>
    %mul3A_163 = arith.mulf %mul3A_162, %sub3A_150 : vector<208x208xf32>
    %mul3A_164 = arith.mulf %mul3A_163, %sub3A_150 : vector<208x208xf32>
    %max3A_165 = arith.constant 1.000000e-24 : f32
    %max3A_166 = vector.broadcast %max3A_165 : f32 to vector<208x208xf32>
    %max3A_167 = arith.maximumf %mul3A_164, %max3A_166 : vector<208x208xf32>
    %sqrt3A_168 = math.sqrt %max3A_167 : vector<208x208xf32>
    %div3A_169 = arith.constant 9.79795932 : f32
    %div3A_170 = vector.broadcast %div3A_169 : f32 to vector<208x208xf32>
    %div3A_171 = arith.divf %sqrt3A_168, %div3A_170 : vector<208x208xf32>
    %sub3A_172 = arith.subf %div3A_171, %div3A_160 : vector<208x208xf32>
    %abs3A = math.absf %sub3A_172 : vector<208x208xf32>
    %jit3A_173 = arith.constant 0.000000e+00 : f32
    %broadcast_in_dim3A_174 = vector.broadcast %jit3A_173 : f32 to vector<208x208xf32>
    %select_n3A_175 = arith.select %and3A, %abs3A, %broadcast_in_dim3A_174 : vector<208x208xi1>, vector<208x208xf32>
    %reduce_sum3A_176 = vector.shape_cast %select_n3A_175 : vector<208x208xf32> to vector<1x208x208xf32>
    %reduce_sum3A_177 = arith.constant dense<0.000000e+00> : vector<1xf32>
    %reduce_sum3A_178 = vector.multi_reduction <add>, %reduce_sum3A_176, %reduce_sum3A_177 [1, 2] : vector<1x208x208xf32> to vector<1xf32>
    %reduce_sum3A_179 = vector.shape_cast %reduce_sum3A_178 : vector<1xf32> to vector<1x1x1xf32>
    %reduce_sum3A_180 = vector.extract %reduce_sum3A_179[0, 0, 0] : f32 from vector<1x1x1xf32>
    %add3A = arith.constant 0.000000e+00 : f32
    %add3A_181 = arith.addf %add3A, %reduce_sum3A_180 : f32
    %slice3A_182 = vector.extract_strided_slice %concatenate3A {offsets = [1, 0], sizes = [1, 208], strides = [1, 1]} : vector<4x208xf32> to vector<1x208xf32>
    %slice3A_183 = vector.extract_strided_slice %concatenate3A_140 {offsets = [1, 0], sizes = [1, 208], strides = [1, 1]} : vector<4x208xf32> to vector<1x208xf32>
    %slice3A_184 = vector.extract_strided_slice %transpose3A {offsets = [0, 1], sizes = [208, 1], strides = [1, 1]} : vector<208x4xf32> to vector<208x1xf32>
    %slice3A_185 = vector.extract_strided_slice %transpose3A_141 {offsets = [0, 1], sizes = [208, 1], strides = [1, 1]} : vector<208x4xf32> to vector<208x1xf32>
    %sub3A_186 = vector.broadcast %slice3A_184 : vector<208x1xf32> to vector<208x208xf32>
    %sub3A_187 = vector.broadcast %slice3A_182 : vector<1x208xf32> to vector<208x208xf32>
    %sub3A_188 = arith.subf %sub3A_186, %sub3A_187 : vector<208x208xf32>
    %sub3A_189 = vector.broadcast %slice3A_185 : vector<208x1xf32> to vector<208x208xf32>
    %sub3A_190 = vector.broadcast %slice3A_183 : vector<1x208xf32> to vector<208x208xf32>
    %sub3A_191 = arith.subf %sub3A_189, %sub3A_190 : vector<208x208xf32>
    %mul3A_192 = arith.constant 3.000000e+00 : f32
    %mul3A_193 = vector.broadcast %mul3A_192 : f32 to vector<208x208xf32>
    %mul3A_194 = arith.mulf %mul3A_193, %sub3A_188 : vector<208x208xf32>
    %mul3A_195 = arith.mulf %mul3A_194, %sub3A_188 : vector<208x208xf32>
    %max3A_196 = arith.constant 1.000000e-24 : f32
    %max3A_197 = vector.broadcast %max3A_196 : f32 to vector<208x208xf32>
    %max3A_198 = arith.maximumf %mul3A_195, %max3A_197 : vector<208x208xf32>
    %sqrt3A_199 = math.sqrt %max3A_198 : vector<208x208xf32>
    %div3A_200 = arith.constant 1.73205078 : f32
    %div3A_201 = vector.broadcast %div3A_200 : f32 to vector<208x208xf32>
    %div3A_202 = arith.divf %sqrt3A_199, %div3A_201 : vector<208x208xf32>
    %mul3A_203 = arith.constant 9.600000e+01 : f32
    %mul3A_204 = vector.broadcast %mul3A_203 : f32 to vector<208x208xf32>
    %mul3A_205 = arith.mulf %mul3A_204, %sub3A_191 : vector<208x208xf32>
    %mul3A_206 = arith.mulf %mul3A_205, %sub3A_191 : vector<208x208xf32>
    %max3A_207 = arith.constant 1.000000e-24 : f32
    %max3A_208 = vector.broadcast %max3A_207 : f32 to vector<208x208xf32>
    %max3A_209 = arith.maximumf %mul3A_206, %max3A_208 : vector<208x208xf32>
    %sqrt3A_210 = math.sqrt %max3A_209 : vector<208x208xf32>
    %div3A_211 = arith.constant 9.79795932 : f32
    %div3A_212 = vector.broadcast %div3A_211 : f32 to vector<208x208xf32>
    %div3A_213 = arith.divf %sqrt3A_210, %div3A_212 : vector<208x208xf32>
    %sub3A_214 = arith.subf %div3A_213, %div3A_202 : vector<208x208xf32>
    %abs3A_215 = math.absf %sub3A_214 : vector<208x208xf32>
    %jit3A_216 = arith.constant 0.000000e+00 : f32
    %broadcast_in_dim3A_217 = vector.broadcast %jit3A_216 : f32 to vector<208x208xf32>
    %select_n3A_218 = arith.select %and3A, %abs3A_215, %broadcast_in_dim3A_217 : vector<208x208xi1>, vector<208x208xf32>
    %reduce_sum3A_219 = vector.shape_cast %select_n3A_218 : vector<208x208xf32> to vector<1x208x208xf32>
    %reduce_sum3A_220 = arith.constant dense<0.000000e+00> : vector<1xf32>
    %reduce_sum3A_221 = vector.multi_reduction <add>, %reduce_sum3A_219, %reduce_sum3A_220 [1, 2] : vector<1x208x208xf32> to vector<1xf32>
    %reduce_sum3A_222 = vector.shape_cast %reduce_sum3A_221 : vector<1xf32> to vector<1x1x1xf32>
    %reduce_sum3A_223 = vector.extract %reduce_sum3A_222[0, 0, 0] : f32 from vector<1x1x1xf32>
    %add3A_224 = arith.addf %add3A_181, %reduce_sum3A_223 : f32
    %slice3A_225 = vector.extract_strided_slice %concatenate3A {offsets = [2, 0], sizes = [1, 208], strides = [1, 1]} : vector<4x208xf32> to vector<1x208xf32>
    %slice3A_226 = vector.extract_strided_slice %concatenate3A_140 {offsets = [2, 0], sizes = [1, 208], strides = [1, 1]} : vector<4x208xf32> to vector<1x208xf32>
    %slice3A_227 = vector.extract_strided_slice %transpose3A {offsets = [0, 2], sizes = [208, 1], strides = [1, 1]} : vector<208x4xf32> to vector<208x1xf32>
    %slice3A_228 = vector.extract_strided_slice %transpose3A_141 {offsets = [0, 2], sizes = [208, 1], strides = [1, 1]} : vector<208x4xf32> to vector<208x1xf32>
    %sub3A_229 = vector.broadcast %slice3A_227 : vector<208x1xf32> to vector<208x208xf32>
    %sub3A_230 = vector.broadcast %slice3A_225 : vector<1x208xf32> to vector<208x208xf32>
    %sub3A_231 = arith.subf %sub3A_229, %sub3A_230 : vector<208x208xf32>
    %sub3A_232 = vector.broadcast %slice3A_228 : vector<208x1xf32> to vector<208x208xf32>
    %sub3A_233 = vector.broadcast %slice3A_226 : vector<1x208xf32> to vector<208x208xf32>
    %sub3A_234 = arith.subf %sub3A_232, %sub3A_233 : vector<208x208xf32>
    %mul3A_235 = arith.constant 3.000000e+00 : f32
    %mul3A_236 = vector.broadcast %mul3A_235 : f32 to vector<208x208xf32>
    %mul3A_237 = arith.mulf %mul3A_236, %sub3A_231 : vector<208x208xf32>
    %mul3A_238 = arith.mulf %mul3A_237, %sub3A_231 : vector<208x208xf32>
    %max3A_239 = arith.constant 1.000000e-24 : f32
    %max3A_240 = vector.broadcast %max3A_239 : f32 to vector<208x208xf32>
    %max3A_241 = arith.maximumf %mul3A_238, %max3A_240 : vector<208x208xf32>
    %sqrt3A_242 = math.sqrt %max3A_241 : vector<208x208xf32>
    %div3A_243 = arith.constant 1.73205078 : f32
    %div3A_244 = vector.broadcast %div3A_243 : f32 to vector<208x208xf32>
    %div3A_245 = arith.divf %sqrt3A_242, %div3A_244 : vector<208x208xf32>
    %mul3A_246 = arith.constant 9.600000e+01 : f32
    %mul3A_247 = vector.broadcast %mul3A_246 : f32 to vector<208x208xf32>
    %mul3A_248 = arith.mulf %mul3A_247, %sub3A_234 : vector<208x208xf32>
    %mul3A_249 = arith.mulf %mul3A_248, %sub3A_234 : vector<208x208xf32>
    %max3A_250 = arith.constant 1.000000e-24 : f32
    %max3A_251 = vector.broadcast %max3A_250 : f32 to vector<208x208xf32>
    %max3A_252 = arith.maximumf %mul3A_249, %max3A_251 : vector<208x208xf32>
    %sqrt3A_253 = math.sqrt %max3A_252 : vector<208x208xf32>
    %div3A_254 = arith.constant 9.79795932 : f32
    %div3A_255 = vector.broadcast %div3A_254 : f32 to vector<208x208xf32>
    %div3A_256 = arith.divf %sqrt3A_253, %div3A_255 : vector<208x208xf32>
    %sub3A_257 = arith.subf %div3A_256, %div3A_245 : vector<208x208xf32>
    %abs3A_258 = math.absf %sub3A_257 : vector<208x208xf32>
    %jit3A_259 = arith.constant 0.000000e+00 : f32
    %broadcast_in_dim3A_260 = vector.broadcast %jit3A_259 : f32 to vector<208x208xf32>
    %select_n3A_261 = arith.select %and3A, %abs3A_258, %broadcast_in_dim3A_260 : vector<208x208xi1>, vector<208x208xf32>
    %reduce_sum3A_262 = vector.shape_cast %select_n3A_261 : vector<208x208xf32> to vector<1x208x208xf32>
    %reduce_sum3A_263 = arith.constant dense<0.000000e+00> : vector<1xf32>
    %reduce_sum3A_264 = vector.multi_reduction <add>, %reduce_sum3A_262, %reduce_sum3A_263 [1, 2] : vector<1x208x208xf32> to vector<1xf32>
    %reduce_sum3A_265 = vector.shape_cast %reduce_sum3A_264 : vector<1xf32> to vector<1x1x1xf32>
    %reduce_sum3A_266 = vector.extract %reduce_sum3A_265[0, 0, 0] : f32 from vector<1x1x1xf32>
    %add3A_267 = arith.addf %add3A_224, %reduce_sum3A_266 : f32
    %slice3A_268 = vector.extract_strided_slice %concatenate3A {offsets = [3, 0], sizes = [1, 208], strides = [1, 1]} : vector<4x208xf32> to vector<1x208xf32>
    %slice3A_269 = vector.extract_strided_slice %concatenate3A_140 {offsets = [3, 0], sizes = [1, 208], strides = [1, 1]} : vector<4x208xf32> to vector<1x208xf32>
    %slice3A_270 = vector.extract_strided_slice %transpose3A {offsets = [0, 3], sizes = [208, 1], strides = [1, 1]} : vector<208x4xf32> to vector<208x1xf32>
    %slice3A_271 = vector.extract_strided_slice %transpose3A_141 {offsets = [0, 3], sizes = [208, 1], strides = [1, 1]} : vector<208x4xf32> to vector<208x1xf32>
    %sub3A_272 = vector.broadcast %slice3A_270 : vector<208x1xf32> to vector<208x208xf32>
    %sub3A_273 = vector.broadcast %slice3A_268 : vector<1x208xf32> to vector<208x208xf32>
    %sub3A_274 = arith.subf %sub3A_272, %sub3A_273 : vector<208x208xf32>
    %sub3A_275 = vector.broadcast %slice3A_271 : vector<208x1xf32> to vector<208x208xf32>
    %sub3A_276 = vector.broadcast %slice3A_269 : vector<1x208xf32> to vector<208x208xf32>
    %sub3A_277 = arith.subf %sub3A_275, %sub3A_276 : vector<208x208xf32>
    %mul3A_278 = arith.constant 3.000000e+00 : f32
    %mul3A_279 = vector.broadcast %mul3A_278 : f32 to vector<208x208xf32>
    %mul3A_280 = arith.mulf %mul3A_279, %sub3A_274 : vector<208x208xf32>
    %mul3A_281 = arith.mulf %mul3A_280, %sub3A_274 : vector<208x208xf32>
    %max3A_282 = arith.constant 1.000000e-24 : f32
    %max3A_283 = vector.broadcast %max3A_282 : f32 to vector<208x208xf32>
    %max3A_284 = arith.maximumf %mul3A_281, %max3A_283 : vector<208x208xf32>
    %sqrt3A_285 = math.sqrt %max3A_284 : vector<208x208xf32>
    %div3A_286 = arith.constant 1.73205078 : f32
    %div3A_287 = vector.broadcast %div3A_286 : f32 to vector<208x208xf32>
    %div3A_288 = arith.divf %sqrt3A_285, %div3A_287 : vector<208x208xf32>
    %mul3A_289 = arith.constant 9.600000e+01 : f32
    %mul3A_290 = vector.broadcast %mul3A_289 : f32 to vector<208x208xf32>
    %mul3A_291 = arith.mulf %mul3A_290, %sub3A_277 : vector<208x208xf32>
    %mul3A_292 = arith.mulf %mul3A_291, %sub3A_277 : vector<208x208xf32>
    %max3A_293 = arith.constant 1.000000e-24 : f32
    %max3A_294 = vector.broadcast %max3A_293 : f32 to vector<208x208xf32>
    %max3A_295 = arith.maximumf %mul3A_292, %max3A_294 : vector<208x208xf32>
    %sqrt3A_296 = math.sqrt %max3A_295 : vector<208x208xf32>
    %div3A_297 = arith.constant 9.79795932 : f32
    %div3A_298 = vector.broadcast %div3A_297 : f32 to vector<208x208xf32>
    %div3A_299 = arith.divf %sqrt3A_296, %div3A_298 : vector<208x208xf32>
    %sub3A_300 = arith.subf %div3A_299, %div3A_288 : vector<208x208xf32>
    %abs3A_301 = math.absf %sub3A_300 : vector<208x208xf32>
    %jit3A_302 = arith.constant 0.000000e+00 : f32
    %broadcast_in_dim3A_303 = vector.broadcast %jit3A_302 : f32 to vector<208x208xf32>
    %select_n3A_304 = arith.select %and3A, %abs3A_301, %broadcast_in_dim3A_303 : vector<208x208xi1>, vector<208x208xf32>
    %reduce_sum3A_305 = vector.shape_cast %select_n3A_304 : vector<208x208xf32> to vector<1x208x208xf32>
    %reduce_sum3A_306 = arith.constant dense<0.000000e+00> : vector<1xf32>
    %reduce_sum3A_307 = vector.multi_reduction <add>, %reduce_sum3A_305, %reduce_sum3A_306 [1, 2] : vector<1x208x208xf32> to vector<1xf32>
    %reduce_sum3A_308 = vector.shape_cast %reduce_sum3A_307 : vector<1xf32> to vector<1x1x1xf32>
    %reduce_sum3A_309 = vector.extract %reduce_sum3A_308[0, 0, 0] : f32 from vector<1x1x1xf32>
    %add3A_310 = arith.addf %add3A_267, %reduce_sum3A_309 : f32
    %mul3A_311 = arith.constant 4 : i32
    %mul3A_312 = arith.muli %mul3A_311, %get3A_3 : i32
    %mul3A_313 = arith.muli %mul3A_312, %get3A_3 : i32
    %convert_element_type3A = arith.sitofp %mul3A_313 : i32 to f32
    %div3A_314 = arith.divf %add3A_310, %convert_element_type3A : f32
    %broadcast_in_dim3A_315 = arith.constant 1.000000e+00 : f32
    %broadcast_in_dim3A_316 = vector.broadcast %broadcast_in_dim3A_315 : f32 to vector<1x1xf32>
    %mul3A_317 = vector.broadcast %div3A_314 : f32 to vector<1x1xf32>
    %mul3A_318 = arith.mulf %mul3A_317, %broadcast_in_dim3A_316 : vector<1x1xf32>
    %swap3A = arith.constant 0 : index
    %swap3A_319 = arith.constant 0 : index
    %swap3A_320 = vector.load %arg2[%swap3A, %swap3A_319] : memref<1x1xf32, #tpu.memory_space<vmem>>, vector<1x1xf32>
    tpu.vector_store %arg2[%swap3A, %swap3A_319], %mul3A_318 {strides = array<i32>} : memref<1x1xf32, #tpu.memory_space<vmem>>, vector<1x1xf32>,
    return
  }
}

module attributes {stable_mosaic.version = 14 : i64} {
  func.func @_stage_a_body(%arg0: memref<4x3x224x224xf32, #tpu.memory_space<vmem>>, %arg1: memref<4x56x56x96xf32, #tpu.memory_space<vmem>>, %arg2: memref<224x56xf32, #tpu.memory_space<vmem>>, %arg3: memref<56x224xf32, #tpu.memory_space<vmem>>, %arg4: memref<4x224x224xf32, #tpu.memory_space<vmem>>, %arg5: memref<4x224x224xf32, #tpu.memory_space<vmem>>) attributes {dimension_semantics = [], scalar_prefetch = 0 : i64, scratch_operands = 0 : i64, tpu.core_type = #tpu.core_type<tc>} {
    %get3A = arith.constant 0 : index
    %get3A_0 = arith.constant 0 : index
    %get3A_1 = vector.load %arg2[%get3A, %get3A_0] : memref<224x56xf32, #tpu.memory_space<vmem>>, vector<224x56xf32>
    %get3A_2 = arith.constant 0 : index
    %get3A_3 = arith.constant 0 : index
    %get3A_4 = vector.load %arg3[%get3A_2, %get3A_3] : memref<56x224xf32, #tpu.memory_space<vmem>>, vector<56x224xf32>
    %get3A_5 = arith.constant 0 : index
    %get3A_6 = arith.constant 0 : index
    %get3A_7 = arith.constant 0 : index
    %get3A_8 = arith.constant 0 : index
    %get3A_9 = vector.load %arg0[%get3A_5, %get3A_6, %get3A_7, %get3A_8] : memref<4x3x224x224xf32, #tpu.memory_space<vmem>>, vector<1x3x224x224xf32>
    %get3A_10 = vector.shape_cast %get3A_9 : vector<1x3x224x224xf32> to vector<3x224x224xf32>
    %reduce_sum3A = arith.constant dense<0.000000e+00> : vector<224x224xf32>
    %reduce_sum3A_11 = vector.multi_reduction <add>, %get3A_10, %reduce_sum3A [0] : vector<3x224x224xf32> to vector<224x224xf32>
    %swap3A = arith.constant 0 : index
    %swap3A_12 = arith.constant 0 : index
    %swap3A_13 = arith.constant 0 : index
    %swap3A_14 = vector.load %arg4[%swap3A, %swap3A_12, %swap3A_13] : memref<4x224x224xf32, #tpu.memory_space<vmem>>, vector<1x224x224xf32>
    %swap3A_15 = vector.shape_cast %swap3A_14 : vector<1x224x224xf32> to vector<224x224xf32>
    %swap3A_16 = vector.shape_cast %reduce_sum3A_11 : vector<224x224xf32> to vector<1x224x224xf32>
    tpu.vector_store %arg4[%swap3A, %swap3A_12, %swap3A_13], %swap3A_16 {strides = array<i32>} : memref<4x224x224xf32, #tpu.memory_space<vmem>>, vector<1x224x224xf32>,
    %get3A_17 = arith.constant 0 : index
    %get3A_18 = arith.constant 0 : index
    %get3A_19 = arith.constant 0 : index
    %get3A_20 = arith.constant 0 : index
    %get3A_21 = vector.load %arg1[%get3A_17, %get3A_18, %get3A_19, %get3A_20] : memref<4x56x56x96xf32, #tpu.memory_space<vmem>>, vector<1x56x56x96xf32>
    %get3A_22 = vector.shape_cast %get3A_21 : vector<1x56x56x96xf32> to vector<56x56x96xf32>
    %reduce_sum3A_23 = arith.constant dense<0.000000e+00> : vector<56x56xf32>
    %reduce_sum3A_24 = vector.multi_reduction <add>, %get3A_22, %reduce_sum3A_23 [2] : vector<56x56x96xf32> to vector<56x56xf32>
    %dot_general3A = arith.constant dense<0.000000e+00> : vector<224x56xf32>
    %dot_general3A_25 = tpu.matmul %get3A_1, %reduce_sum3A_24, %dot_general3A {dimension_numbers = #tpu.dot_dimension_numbers<[1], [0], [0], [1], [0, 0, 1, 1], [], []>, precision = #tpu.contract_precision<fp32>, transpose_lhs_hint = false} : vector<224x56xf32>, vector<56x56xf32>, vector<224x56xf32> -> vector<224x56xf32>
    %dot_general3A_26 = arith.constant dense<0.000000e+00> : vector<224x224xf32>
    %dot_general3A_27 = tpu.matmul %dot_general3A_25, %get3A_4, %dot_general3A_26 {dimension_numbers = #tpu.dot_dimension_numbers<[1], [0], [0], [1], [0, 0, 1, 1], [], []>, precision = #tpu.contract_precision<fp32>, transpose_lhs_hint = false} : vector<224x56xf32>, vector<56x224xf32>, vector<224x224xf32> -> vector<224x224xf32>
    %swap3A_28 = arith.constant 0 : index
    %swap3A_29 = arith.constant 0 : index
    %swap3A_30 = arith.constant 0 : index
    %swap3A_31 = vector.load %arg5[%swap3A_28, %swap3A_29, %swap3A_30] : memref<4x224x224xf32, #tpu.memory_space<vmem>>, vector<1x224x224xf32>
    %swap3A_32 = vector.shape_cast %swap3A_31 : vector<1x224x224xf32> to vector<224x224xf32>
    %swap3A_33 = vector.shape_cast %dot_general3A_27 : vector<224x224xf32> to vector<1x224x224xf32>
    tpu.vector_store %arg5[%swap3A_28, %swap3A_29, %swap3A_30], %swap3A_33 {strides = array<i32>} : memref<4x224x224xf32, #tpu.memory_space<vmem>>, vector<1x224x224xf32>,
    %get3A_34 = arith.constant 1 : index
    %get3A_35 = arith.constant 0 : index
    %get3A_36 = arith.constant 0 : index
    %get3A_37 = arith.constant 0 : index
    %get3A_38 = vector.load %arg0[%get3A_34, %get3A_35, %get3A_36, %get3A_37] : memref<4x3x224x224xf32, #tpu.memory_space<vmem>>, vector<1x3x224x224xf32>
    %get3A_39 = vector.shape_cast %get3A_38 : vector<1x3x224x224xf32> to vector<3x224x224xf32>
    %reduce_sum3A_40 = arith.constant dense<0.000000e+00> : vector<224x224xf32>
    %reduce_sum3A_41 = vector.multi_reduction <add>, %get3A_39, %reduce_sum3A_40 [0] : vector<3x224x224xf32> to vector<224x224xf32>
    %swap3A_42 = arith.constant 1 : index
    %swap3A_43 = arith.constant 0 : index
    %swap3A_44 = arith.constant 0 : index
    %swap3A_45 = vector.load %arg4[%swap3A_42, %swap3A_43, %swap3A_44] : memref<4x224x224xf32, #tpu.memory_space<vmem>>, vector<1x224x224xf32>
    %swap3A_46 = vector.shape_cast %swap3A_45 : vector<1x224x224xf32> to vector<224x224xf32>
    %swap3A_47 = vector.shape_cast %reduce_sum3A_41 : vector<224x224xf32> to vector<1x224x224xf32>
    tpu.vector_store %arg4[%swap3A_42, %swap3A_43, %swap3A_44], %swap3A_47 {strides = array<i32>} : memref<4x224x224xf32, #tpu.memory_space<vmem>>, vector<1x224x224xf32>,
    %get3A_48 = arith.constant 1 : index
    %get3A_49 = arith.constant 0 : index
    %get3A_50 = arith.constant 0 : index
    %get3A_51 = arith.constant 0 : index
    %get3A_52 = vector.load %arg1[%get3A_48, %get3A_49, %get3A_50, %get3A_51] : memref<4x56x56x96xf32, #tpu.memory_space<vmem>>, vector<1x56x56x96xf32>
    %get3A_53 = vector.shape_cast %get3A_52 : vector<1x56x56x96xf32> to vector<56x56x96xf32>
    %reduce_sum3A_54 = arith.constant dense<0.000000e+00> : vector<56x56xf32>
    %reduce_sum3A_55 = vector.multi_reduction <add>, %get3A_53, %reduce_sum3A_54 [2] : vector<56x56x96xf32> to vector<56x56xf32>
    %dot_general3A_56 = arith.constant dense<0.000000e+00> : vector<224x56xf32>
    %dot_general3A_57 = tpu.matmul %get3A_1, %reduce_sum3A_55, %dot_general3A_56 {dimension_numbers = #tpu.dot_dimension_numbers<[1], [0], [0], [1], [0, 0, 1, 1], [], []>, precision = #tpu.contract_precision<fp32>, transpose_lhs_hint = false} : vector<224x56xf32>, vector<56x56xf32>, vector<224x56xf32> -> vector<224x56xf32>
    %dot_general3A_58 = arith.constant dense<0.000000e+00> : vector<224x224xf32>
    %dot_general3A_59 = tpu.matmul %dot_general3A_57, %get3A_4, %dot_general3A_58 {dimension_numbers = #tpu.dot_dimension_numbers<[1], [0], [0], [1], [0, 0, 1, 1], [], []>, precision = #tpu.contract_precision<fp32>, transpose_lhs_hint = false} : vector<224x56xf32>, vector<56x224xf32>, vector<224x224xf32> -> vector<224x224xf32>
    %swap3A_60 = arith.constant 1 : index
    %swap3A_61 = arith.constant 0 : index
    %swap3A_62 = arith.constant 0 : index
    %swap3A_63 = vector.load %arg5[%swap3A_60, %swap3A_61, %swap3A_62] : memref<4x224x224xf32, #tpu.memory_space<vmem>>, vector<1x224x224xf32>
    %swap3A_64 = vector.shape_cast %swap3A_63 : vector<1x224x224xf32> to vector<224x224xf32>
    %swap3A_65 = vector.shape_cast %dot_general3A_59 : vector<224x224xf32> to vector<1x224x224xf32>
    tpu.vector_store %arg5[%swap3A_60, %swap3A_61, %swap3A_62], %swap3A_65 {strides = array<i32>} : memref<4x224x224xf32, #tpu.memory_space<vmem>>, vector<1x224x224xf32>,
    %get3A_66 = arith.constant 2 : index
    %get3A_67 = arith.constant 0 : index
    %get3A_68 = arith.constant 0 : index
    %get3A_69 = arith.constant 0 : index
    %get3A_70 = vector.load %arg0[%get3A_66, %get3A_67, %get3A_68, %get3A_69] : memref<4x3x224x224xf32, #tpu.memory_space<vmem>>, vector<1x3x224x224xf32>
    %get3A_71 = vector.shape_cast %get3A_70 : vector<1x3x224x224xf32> to vector<3x224x224xf32>
    %reduce_sum3A_72 = arith.constant dense<0.000000e+00> : vector<224x224xf32>
    %reduce_sum3A_73 = vector.multi_reduction <add>, %get3A_71, %reduce_sum3A_72 [0] : vector<3x224x224xf32> to vector<224x224xf32>
    %swap3A_74 = arith.constant 2 : index
    %swap3A_75 = arith.constant 0 : index
    %swap3A_76 = arith.constant 0 : index
    %swap3A_77 = vector.load %arg4[%swap3A_74, %swap3A_75, %swap3A_76] : memref<4x224x224xf32, #tpu.memory_space<vmem>>, vector<1x224x224xf32>
    %swap3A_78 = vector.shape_cast %swap3A_77 : vector<1x224x224xf32> to vector<224x224xf32>
    %swap3A_79 = vector.shape_cast %reduce_sum3A_73 : vector<224x224xf32> to vector<1x224x224xf32>
    tpu.vector_store %arg4[%swap3A_74, %swap3A_75, %swap3A_76], %swap3A_79 {strides = array<i32>} : memref<4x224x224xf32, #tpu.memory_space<vmem>>, vector<1x224x224xf32>,
    %get3A_80 = arith.constant 2 : index
    %get3A_81 = arith.constant 0 : index
    %get3A_82 = arith.constant 0 : index
    %get3A_83 = arith.constant 0 : index
    %get3A_84 = vector.load %arg1[%get3A_80, %get3A_81, %get3A_82, %get3A_83] : memref<4x56x56x96xf32, #tpu.memory_space<vmem>>, vector<1x56x56x96xf32>
    %get3A_85 = vector.shape_cast %get3A_84 : vector<1x56x56x96xf32> to vector<56x56x96xf32>
    %reduce_sum3A_86 = arith.constant dense<0.000000e+00> : vector<56x56xf32>
    %reduce_sum3A_87 = vector.multi_reduction <add>, %get3A_85, %reduce_sum3A_86 [2] : vector<56x56x96xf32> to vector<56x56xf32>
    %dot_general3A_88 = arith.constant dense<0.000000e+00> : vector<224x56xf32>
    %dot_general3A_89 = tpu.matmul %get3A_1, %reduce_sum3A_87, %dot_general3A_88 {dimension_numbers = #tpu.dot_dimension_numbers<[1], [0], [0], [1], [0, 0, 1, 1], [], []>, precision = #tpu.contract_precision<fp32>, transpose_lhs_hint = false} : vector<224x56xf32>, vector<56x56xf32>, vector<224x56xf32> -> vector<224x56xf32>
    %dot_general3A_90 = arith.constant dense<0.000000e+00> : vector<224x224xf32>
    %dot_general3A_91 = tpu.matmul %dot_general3A_89, %get3A_4, %dot_general3A_90 {dimension_numbers = #tpu.dot_dimension_numbers<[1], [0], [0], [1], [0, 0, 1, 1], [], []>, precision = #tpu.contract_precision<fp32>, transpose_lhs_hint = false} : vector<224x56xf32>, vector<56x224xf32>, vector<224x224xf32> -> vector<224x224xf32>
    %swap3A_92 = arith.constant 2 : index
    %swap3A_93 = arith.constant 0 : index
    %swap3A_94 = arith.constant 0 : index
    %swap3A_95 = vector.load %arg5[%swap3A_92, %swap3A_93, %swap3A_94] : memref<4x224x224xf32, #tpu.memory_space<vmem>>, vector<1x224x224xf32>
    %swap3A_96 = vector.shape_cast %swap3A_95 : vector<1x224x224xf32> to vector<224x224xf32>
    %swap3A_97 = vector.shape_cast %dot_general3A_91 : vector<224x224xf32> to vector<1x224x224xf32>
    tpu.vector_store %arg5[%swap3A_92, %swap3A_93, %swap3A_94], %swap3A_97 {strides = array<i32>} : memref<4x224x224xf32, #tpu.memory_space<vmem>>, vector<1x224x224xf32>,
    %get3A_98 = arith.constant 3 : index
    %get3A_99 = arith.constant 0 : index
    %get3A_100 = arith.constant 0 : index
    %get3A_101 = arith.constant 0 : index
    %get3A_102 = vector.load %arg0[%get3A_98, %get3A_99, %get3A_100, %get3A_101] : memref<4x3x224x224xf32, #tpu.memory_space<vmem>>, vector<1x3x224x224xf32>
    %get3A_103 = vector.shape_cast %get3A_102 : vector<1x3x224x224xf32> to vector<3x224x224xf32>
    %reduce_sum3A_104 = arith.constant dense<0.000000e+00> : vector<224x224xf32>
    %reduce_sum3A_105 = vector.multi_reduction <add>, %get3A_103, %reduce_sum3A_104 [0] : vector<3x224x224xf32> to vector<224x224xf32>
    %swap3A_106 = arith.constant 3 : index
    %swap3A_107 = arith.constant 0 : index
    %swap3A_108 = arith.constant 0 : index
    %swap3A_109 = vector.load %arg4[%swap3A_106, %swap3A_107, %swap3A_108] : memref<4x224x224xf32, #tpu.memory_space<vmem>>, vector<1x224x224xf32>
    %swap3A_110 = vector.shape_cast %swap3A_109 : vector<1x224x224xf32> to vector<224x224xf32>
    %swap3A_111 = vector.shape_cast %reduce_sum3A_105 : vector<224x224xf32> to vector<1x224x224xf32>
    tpu.vector_store %arg4[%swap3A_106, %swap3A_107, %swap3A_108], %swap3A_111 {strides = array<i32>} : memref<4x224x224xf32, #tpu.memory_space<vmem>>, vector<1x224x224xf32>,
    %get3A_112 = arith.constant 3 : index
    %get3A_113 = arith.constant 0 : index
    %get3A_114 = arith.constant 0 : index
    %get3A_115 = arith.constant 0 : index
    %get3A_116 = vector.load %arg1[%get3A_112, %get3A_113, %get3A_114, %get3A_115] : memref<4x56x56x96xf32, #tpu.memory_space<vmem>>, vector<1x56x56x96xf32>
    %get3A_117 = vector.shape_cast %get3A_116 : vector<1x56x56x96xf32> to vector<56x56x96xf32>
    %reduce_sum3A_118 = arith.constant dense<0.000000e+00> : vector<56x56xf32>
    %reduce_sum3A_119 = vector.multi_reduction <add>, %get3A_117, %reduce_sum3A_118 [2] : vector<56x56x96xf32> to vector<56x56xf32>
    %dot_general3A_120 = arith.constant dense<0.000000e+00> : vector<224x56xf32>
    %dot_general3A_121 = tpu.matmul %get3A_1, %reduce_sum3A_119, %dot_general3A_120 {dimension_numbers = #tpu.dot_dimension_numbers<[1], [0], [0], [1], [0, 0, 1, 1], [], []>, precision = #tpu.contract_precision<fp32>, transpose_lhs_hint = false} : vector<224x56xf32>, vector<56x56xf32>, vector<224x56xf32> -> vector<224x56xf32>
    %dot_general3A_122 = arith.constant dense<0.000000e+00> : vector<224x224xf32>
    %dot_general3A_123 = tpu.matmul %dot_general3A_121, %get3A_4, %dot_general3A_122 {dimension_numbers = #tpu.dot_dimension_numbers<[1], [0], [0], [1], [0, 0, 1, 1], [], []>, precision = #tpu.contract_precision<fp32>, transpose_lhs_hint = false} : vector<224x56xf32>, vector<56x224xf32>, vector<224x224xf32> -> vector<224x224xf32>
    %swap3A_124 = arith.constant 3 : index
    %swap3A_125 = arith.constant 0 : index
    %swap3A_126 = arith.constant 0 : index
    %swap3A_127 = vector.load %arg5[%swap3A_124, %swap3A_125, %swap3A_126] : memref<4x224x224xf32, #tpu.memory_space<vmem>>, vector<1x224x224xf32>
    %swap3A_128 = vector.shape_cast %swap3A_127 : vector<1x224x224xf32> to vector<224x224xf32>
    %swap3A_129 = vector.shape_cast %dot_general3A_123 : vector<224x224xf32> to vector<1x224x224xf32>
    tpu.vector_store %arg5[%swap3A_124, %swap3A_125, %swap3A_126], %swap3A_129 {strides = array<i32>} : memref<4x224x224xf32, #tpu.memory_space<vmem>>, vector<1x224x224xf32>,
    return
  }
}

</mosaic_0001>

<sc_bundles>
// kernel: kernel.5.cloned.1.call-start
scs
__scs_entry_jumppad:
0x0: {  	(pc) =	sbr.rel $0x88, $3  }
0x1: {  	(tag) =	ssettag $0x0;
	lr =	simm.s32 $0x1  }
0x2: {  	[smem:$0x3F9D] =	sst lr;
	_ =	strace $0xD0000000  }
0x3: {  	_ = 	snop  }
0x4: {  	_ = 	snop  }
0x5: {  	_ = 	snop  }
0x6: {  	_ = 	snop  }
0x7: {  	_ = 	snop  }
__scs_overlays_trampoline_lowered:
0x8: {  	[smem:$0x3FAC] =	sst s0  }
0x9: {  	[smem:$0x3FAD] =	sst s1  }
0xa: {  	[smem:$0x3FAE] =	sst s2  }
0xb: {  	[smem:$0x3FAF] =	sst s3  }
0xc: {  	[smem:$0x3FB0] =	sst s4  }
0xd: {  	[smem:$0x3FB1] =	sst s5  }
0xe: {  	[smem:$0x3FB2] =	sst s6  }
0xf: {  	[smem:$0x3FB3] =	sst s7  }
0x10: {  	[smem:$0x3FB4] =	sst s8  }
0x11: {  	[smem:$0x3FB5] =	sst s9;
	s0 =	simm.s32 @!p0 $0x0  }
0x12: {  	s1 =	sld [smem:$0x3F9B];
	s0 =	simm.s32 @p0 $0x1  }
0x13: {  	[smem:$0x3FB6] =	sst s0;
	s0 =	simm.s32 @!p1 $0x0  }
0x14: {  	s2 =	sld [smem:$0x3F9A];
	s0 =	simm.s32 @p1 $0x1  }
0x15: {  	[smem:$0x3FB7] =	sst s0;
	s0 =	simm.s32 @!p2 $0x0  }
0x16: {  	s3 =	sld [smem:$0x3FDB];
	s0 =	simm.s32 @p2 $0x1  }
0x17: {  	s4 =	simm.s32 $0x1BF5;
	[smem:$0x3FB9] =	sst s0  }
0x18: {  	s0 =	sld [smem:$0x3F9C];
	_ =	swait.ge [sflag:s4], $0x0  }
0x19: {  	s7 =	sld [smem:$0x3F9D]  }
0x1a: {  	s8 =	sadd.s32 $0xFFFFE003, lr  }
0x1b: {  	s9 =	sadd.s32 $0xFFFFFEF7, lr;
	s5 =	simm.s32 $0xFFFFFFFF;
	p2 =	slt.u32 s8, $0xFFFFF086  }
0x1c: {  	p1 =	slt.u32 s9, $0xF7A;
	s5 =	simm.s32 @!p2 $0x0  }
0x1d: {  	s5 =	simm.s32 @p1 $0x1;
	p0 =	seq.s32 s7, s2  }
0x1e: {  	s7 =	smul.u32 @!p0 $0xF7A, s2;
	p2 =	seq.s32 @!p0 s5, $0x0  }
0x1f: {  	s9 =	smul.u32 $0xF7A, s1;
	s8 =	simm.s32 @!p0 $0x1BF5;
	p2 =	por !p2, p0  }
0x20: {  	[sflag:s8] =	ssyncset.s32 @!p0 $0xFFFFF086;
	s6 =	sadd.s32 @!p0 s3, s7;
	s7 =	simm.s32 @!p0 $0x108  }
0x21: {  	s3 =	sadd.s32 s3, s9;
	s6 =	sadd.s32 @!p0 $0x88, s6;
	s7 =	simm.s32 @p2 $0x1082  }
0x22: {  	[simem:s7], [sflag:s8] =	dma.local @!p0 [hbm:s6], $0xF7A  }
0x23: {  	s9 =	sor.u32 $0xD0000000, s2;
	s6 =	simm.s32 $0x108;
	_ =	swait.ge @!p0 [sflag:s8], $0x0  }
0x24: {  	s3 =	sadd.s32 $0x88, s3;
	s6 =	simm.s32 @!p1 $0x1082;
	[sflag:s4] =	ssyncset.s32 $0xFFFFF086  }
0x25: {  	[simem:s6], [sflag:s4] =	dma.local [hbm:s3], $0xF7A  }
0x26: {  	[smem:$0x3F9D] =	sst s1;
	(tag) =	ssettag s2;
	_ =	strace s9  }
0x27: {  	s1 =	sld [smem:$0x3FAD]  }
0x28: {  	s2 =	sld [smem:$0x3FAE]  }
0x29: {  	s4 =	sld [smem:$0x3FB0]  }
0x2a: {  	p0 =	seq.s32 s5, $0x0;
	s5 =	sld [smem:$0x3FB1]  }
0x2b: {  	s6 =	sld [smem:$0x3FB2]  }
0x2c: {  	s7 =	sld [smem:$0x3FB3]  }
0x2d: {  	s3 =	simm.s32 $0x108;
	s8 =	sld [smem:$0x3FB4]  }
0x2e: {  	s3 =	simm.s32 @!p0 $0x1082;
	s9 =	sld [smem:$0x3FB5]  }
0x2f: {  	lr =	sadd.s32 s0, s3;
	s0 =	sld [smem:$0x3FAC]  }
0x30: {  	s3 =	sld [smem:$0x3FAF]  }
0x31: {  	[smem:$0x3FB8] =	sst s10  }
0x32: {  	s10 =	sld [smem:$0x3FB6];
	_ =	sdelay $0x3  }
0x33: {  	p0 =	seq.s32 s10, $0x1;
	s10 =	sld [smem:$0x3FB8];
	_ =	sdelay $0x3  }
0x34: {  	[smem:$0x3FB8] =	sst s10  }
0x35: {  	s10 =	sld [smem:$0x3FB7];
	_ =	sdelay $0x3  }
0x36: {  	p1 =	seq.s32 s10, $0x1;
	s10 =	sld [smem:$0x3FB8];
	_ =	sdelay $0x3  }
0x37: {  	[smem:$0x3FB8] =	sst s10  }
0x38: {  	s10 =	sld [smem:$0x3FB9]  }
0x39: {  	_ = 	snop;
	(pc) =	sbr.ind lr, $3  }
0x3a: {  	_ = 	snop  }
0x3b: {  	_ = 	snop  }
0x3c: {  	p2 =	seq.s32 s10, $0x1;
	s10 =	sld [smem:$0x3FB8]  }
0x3d: {  	_ =	shalt  }
0x3e: {  	_ =	shalt  }
0x3f: {  	_ =	shalt  }
0x40: {  	_ =	shalt  }
0x41: {  	_ =	shalt  }
0x42: {  	_ =	shalt  }
0x43: {  	_ =	shalt  }
0x44: {  	_ =	shalt  }
0x45: {  	_ =	shalt  }
0x46: {  	_ =	shalt  }
0x47: {  	_ =	shalt  }
0x48: {  	_ =	shalt  }
0x49: {  	_ =	shalt  }
0x4a: {  	_ =	shalt  }
0x4b: {  	_ =	shalt  }
0x4c: {  	_ =	shalt  }
0x4d: {  	_ =	shalt  }
0x4e: {  	_ =	shalt  }
0x4f: {  	_ =	shalt  }
0x50: {  	_ =	shalt  }
0x51: {  	_ =	shalt  }
0x52: {  	_ =	shalt  }
0x53: {  	_ =	shalt  }
0x54: {  	_ =	shalt  }
0x55: {  	_ =	shalt  }
0x56: {  	_ =	shalt  }
0x57: {  	_ =	shalt  }
0x58: {  	_ =	shalt  }
0x59: {  	_ =	shalt  }
0x5a: {  	_ =	shalt  }
0x5b: {  	_ =	shalt  }
0x5c: {  	_ =	shalt  }
0x5d: {  	_ =	shalt  }
0x5e: {  	_ =	shalt  }
0x5f: {  	_ =	shalt  }
0x60: {  	_ =	shalt  }
0x61: {  	_ =	shalt  }
0x62: {  	_ =	shalt  }
0x63: {  	_ =	shalt  }
0x64: {  	_ =	shalt  }
0x65: {  	_ =	shalt  }
0x66: {  	_ =	shalt  }
0x67: {  	_ =	shalt  }
0x68: {  	_ =	shalt  }
0x69: {  	_ =	shalt  }
0x6a: {  	_ =	shalt  }
0x6b: {  	_ =	shalt  }
0x6c: {  	_ =	shalt  }
0x6d: {  	_ =	shalt  }
0x6e: {  	_ =	shalt  }
0x6f: {  	_ =	shalt  }
0x70: {  	_ =	shalt  }
0x71: {  	_ =	shalt  }
0x72: {  	_ =	shalt  }
0x73: {  	_ =	shalt  }
0x74: {  	_ =	shalt  }
0x75: {  	_ =	shalt  }
0x76: {  	_ =	shalt  }
0x77: {  	_ =	shalt  }
0x78: {  	_ =	shalt  }
0x79: {  	_ =	shalt  }
0x7a: {  	_ =	shalt  }
0x7b: {  	_ =	shalt  }
0x7c: {  	_ =	shalt  }
0x7d: {  	_ =	shalt  }
0x7e: {  	_ =	shalt  }
0x7f: {  	_ =	shalt  }
0x80: {  	_ =	shalt  }
0x81: {  	_ =	shalt  }
0x82: {  	_ =	shalt  }
0x83: {  	_ =	shalt  }
0x84: {  	_ =	shalt  }
0x85: {  	_ =	shalt  }
0x86: {  	_ =	shalt  }
0x87: {  	_ =	shalt  }
.Lfunc_end0:
.L_simem_size_0:
called_computation_lowered:
.L_overlay_start_0:
0x88: {  	s2 =	sld [smem:$0x3FD9]  }
0x89: {  	s3 =	sld [smem:$0x3FFE];
	_ =	sdelay $0x1  }
0x8a: {  	s1 =	srdreg.scid  }
0x8b: {  	s0 =	sand.u32 $0x1, s1  }
0x8c: {  	s17 =	sshll.u32 s0, $0xA;
	s2 =	sadd.s32 s3, s2  }
0x8d: {  	s2 =	sadd.s32 s2, s17  }
0x8e: {  	[smem:$0x3FC4] =	sst s2  }
0x8f: {  	_ = 	snop  }
0x90: {  	s2 =	sld [smem:$0x3FC7];
	(tm) =	ssettm $0x1  }
0x91: {  	s18 =	sld [smem:$0x3FFB];
	_ =	sdelay $0x3  }
0x92: {  	_ =	strace s18  }
0x93: {  	s3 =	sld [smem:$0x3FFC];
	_ =	sdelay $0x3  }
0x94: {  	_ =	strace s3  }
0x95: {  	s3 =	sld [smem:$0x3FFD];
	_ =	sdelay $0x3  }
0x96: {  	_ =	strace s3  }
0x97: {  	_ =	strace $0x8FFFFFFF  }
0x98: {  	s19 =	sld [smem:$0x3FDB];
	_ =	sdelay $0x1  }
0x99: {  	s4 =	simm.s32 $_scs_section_size  }
0x9a: {  	s5 =	simm.s32 $_size__tile_overlayer_lowered;
	s6 =	simm.s32 $_tile_overlayer_lowered  }
0x9b: {  	s22 =	simm.s32 $0x1BFF;
	s21 =	sshll.u32 s6, $0x1;
	s3 =	sadd.s32 s4, s19  }
0x9c: {  	s7 =	simm.s32 $0x0;
	s20 =	sshll.u32 s5, $0x1;
	s5 =	sadd.s32 s21, s3  }
0x9d: {  	[timem:s7], [sflag:s22] =	dma.local [hbm:s5], s20  }
0x9e: {  	_ =	swait.ge [sflag:s22], s20  }
0x9f: {  	s4 =	ssub.s32 $0x0, s20;
	[sflag:s22] =	ssyncset.done $0x0  }
0xa0: {  	[sflag:s22] =	ssyncadd.s32 s4;
	_ =	sdelay $0x1  }
0xa1: {  	s23 =	simm.s32 $0x1B8B  }
0xa2: {  	_ =	swait.ge [sflag:s23], $0x1  }
0xa3: {  	[sflag:s23] =	ssyncset.done $0x0  }
0xa4: {  	s25 =	simm.s32 $0x1B8E;
	s24 =	sld [smem:$0x3FFE];
	[sflag:s23] =	ssyncadd.s32 $0xFFFFFFFF  }
0xa5: {  	s26 =	simm.s32 $execute0_lowered;
	[smem:$0x3FD2] =	sst s25  }
0xa6: {  	s5 =	sshll.u32 s26, $0x1;
	_ =	strace $0x80000046;
	[dreg:$0x1] =	wrdreg $0xFFFFFFFF  }
0xa7: {  	s28 =	simm.s32 $_size_execute0_lowered;
	s3 =	sadd.s32 s3, s5;
	[dreg:$0x0] =	wrdreg $0x0  }
0xa8: {  	s5 =	sshll.u32 s28, $0x1;
	[dreg:$0x2] =	wrdreg s3  }
0xa9: {  	[dreg:$0x3] =	wrdreg s5  }
0xaa: {  	[dreg:$0x4] =	wrdreg $0xC0  }
0xab: {  	_ =	task [dreg:s7], $0x5FFFF  }
0xac: {  	[dreg:$0x1] =	wrdreg $0xFFFFFFFF  }
0xad: {  	[dreg:$0x0] =	wrdreg $0x60  }
0xae: {  	[dreg:$0x2] =	wrdreg s2  }
0xaf: {  	[dreg:$0x3] =	wrdreg s24  }
0xb0: {  	[dreg:$0x4] =	wrdreg $0x9  }
0xb1: {  	_ =	task.clear_ibuf [dreg:s7], $0x5FFFF;
	_ =	strace $0x90000046  }
0xb2: {  	s29 =	simm.s32 $0x9;
	_ =	strace $0x80000048  }
0xb3: {  	_ =	swait.ge [sflag:s29], $0x1  }
0xb4: {  	[sflag:s29] =	ssyncadd.s32 $0xFFFFFFFF  }
0xb5: {  	_ =	strace $0x90000048  }
0xb6: {  	_ =	sfence  }
0xb7: {  	s30 =	sld [smem:$0x0];
	_ =	sdelay $0x2  }
0xb8: {  	s31 =	sshll.u32 s1, $0xD;
	s1 =	sshrl.u32 s1, $0x2  }
0xb9: {  	s3 =	sand.u32 $0x4000, s31;
	s1 =	sadd.s32 s1, s30  }
0xba: {  	s0 =	sor.u32 s3, s0;
	s1 =	sshll.u32 s1, $0x11  }
0xbb: {  	s0 =	sor.u32 s1, s0  }
0xbc: {  	s0 =	sadd.s32 $0x8F2B, s0  }
0xbd: {  	[sflag:s0] =	ssyncadd.remote.s32 $0x1  }
0xbe: {  	_ =	sfence.sel $0xFFFF  }
0xbf: {  	[dreg:$0x0] =	wrdreg $0xFFFFFFFF;
	(pc) =	sbr.abs _section_cstart, $3  }
0xc0: {  	[dreg:$0x1] =	wrdreg $0xFFFFFFFF  }
0xc1: {  	_ =	task.clear_ibuf [dreg:s7], $0x2FFFF;
	_ =	strace $0x9FFFFFFF  }
0xc2: {  	(tm) =	ssettm $0x7FFFFFFF  }
0xc3: {  	_ =	shalt  }
tec
execute0_lowered:
.L_overlay_start_1:
0x0: {  	(tag) =	ssettag $0x1  }
0x1: {  	s1 =	srdreg.scid;
	s3 =	rddreg [dreg:$0x0]  }
0x2: {  	s0 =	stileid.u32;
	s5 =	rddreg [dreg:$0x1]  }
0x3: {  	s2 =	simm.s32 $0x0;
	s12 =	simm.s32 $0x1;
	s13 =	simm.s32 $0x6000  }
0x4: {  	s14 =	simm.s32 $0x80;
	s15 =	simm.s32 $0x400;
	s16 =	simm.s32 $0x2  }
0x5: {  	s17 =	simm.s32 $0x0;
	s9 =	sand.u32 $0x1, s1;
	s26 =	sshll.u32 s0, $0x1  }
0x6: {  	s1 =	rddreg [dreg:$0x2];
	s8 =	sshrl.u32 s0, $0x2;
	s4 =	sor.u32 s9, s26  }
0x7: {  	[smem:$0x7FF] =	sst s2;
	s10 =	smul.u32 $0xE000, s8;
	s6 =	sand.u32 $0x7, s4  }
0x8: {  	s7 =	sshll.u32 s9, $0x2;
	_ =	strace $0x80000047;
	s6 =	smul.u32 $0x1C, s6  }
0x9: {  	s28 =	smul.u32 $0x1400, s8;
	s29 =	ssub.s32 $0x2, s9;
	s4 =	sshll.u32 s4, $0x7  }
0xa: {  	s8 =	sshll.u32 s9, $0x9;
	s4 =	sand.u32 $0x380, s4;
	s6 =	ssub.s32 s6, s7  }
0xb: {  	s9 =	sshll.u32 s9, $0xA;
	s4 =	sor.u32 s28, s4;
	s6 =	sshll.u32 s6, $0x8  }
0xc: {  	s30 =	sshrl.u32 s29, $0x1;
	s4 =	sshrl.u32 s4, $0x3;
	s6 =	sand.u32 $0x7FFFF800, s6  }
0xd: {  	s7 =	ssub.s32 s29, s30;
	s11 =	sadd.s32 s4, s5;
	s6 =	sadd.s32 s10, s6  }
0xe: {  	s7 =	smax.u32 s7, $0x1;
	s10 =	simm.s32 $0x2000;
	s6 =	sshrl.u32 s6, $0x3  }
0xf: {  	s31 =	sadd.s32 s6, s5;
	s3 =	sadd.s32 s3, s6;
	s6 =	sadd.s32 $0xF600, s11  }
0x10: {  	v0 =	vimm.f32 $0.0e+00;
	v1 =	vimm.f32 $1.000000000e+00;
	s11 =	simm.s32 $0x4000;
	s4 =	sadd.s32 $0x1600, s31;
	s5 =	sadd.s32 $0x8600, s31  }
.LBB2_1:
0x11: {  	[tilespmem:s2], [sflag:$0x1] =	stream.linear.gather [hbm4b:s3+s2], $0x2000, $0x38;
	[tilespmem:$0x6280] =	vst v63  }
0x12: {  	_ = 	snop  }
0x13: {  	[tilespmem:s10], [sflag:$0x1] =	stream.linear.gather [hbm4b:s4+s2], $0x2000, $0x38;
	[tilespmem:$0x6280] =	vst v63  }
0x14: {  	_ = 	snop  }
0x15: {  	[tilespmem:s11], [sflag:$0x1] =	stream.linear.gather [hbm4b:s5+s2], $0x2000, $0x38;
	[tilespmem:$0x6280] =	vst v63  }
0x16: {  	[tilespmem:$0x6000] =	vst v0  }
0x17: {  	[tilespmem:$0x6010] =	vst v0  }
0x18: {  	[tilespmem:$0x6020] =	vst v0  }
0x19: {  	[tilespmem:$0x6030] =	vst v0  }
0x1a: {  	[tilespmem:$0x6040] =	vst v0  }
0x1b: {  	[tilespmem:$0x6050] =	vst v0  }
0x1c: {  	[tilespmem:$0x6060] =	vst v0  }
0x1d: {  	[tilespmem:$0x6070] =	vst v0  }
0x1e: {  	[tilespmem:$0x6080] =	vst v0  }
0x1f: {  	[tilespmem:$0x6090] =	vst v0  }
0x20: {  	[tilespmem:$0x60A0] =	vst v0  }
0x21: {  	[tilespmem:$0x60B0] =	vst v0  }
0x22: {  	[tilespmem:$0x60C0] =	vst v0  }
0x23: {  	[tilespmem:$0x60D0] =	vst v0  }
0x24: {  	[tilespmem:$0x60E0] =	vst v0  }
0x25: {  	[tilespmem:$0x60F0] =	vst v0  }
0x26: {  	[tilespmem:$0x6100] =	vst v0  }
0x27: {  	[tilespmem:$0x6110] =	vst v0  }
0x28: {  	[tilespmem:$0x6120] =	vst v0  }
0x29: {  	[tilespmem:$0x6130] =	vst v0  }
0x2a: {  	[tilespmem:$0x6140] =	vst v0  }
0x2b: {  	[tilespmem:$0x6150] =	vst v0  }
0x2c: {  	[tilespmem:$0x6160] =	vst v0  }
0x2d: {  	[tilespmem:$0x6170] =	vst v0  }
0x2e: {  	[tilespmem:$0x6180] =	vst v0  }
0x2f: {  	[tilespmem:$0x6190] =	vst v0  }
0x30: {  	[tilespmem:$0x61A0] =	vst v0  }
0x31: {  	[tilespmem:$0x61B0] =	vst v0  }
0x32: {  	[tilespmem:$0x61C0] =	vst v0  }
0x33: {  	[tilespmem:$0x61D0] =	vst v0  }
0x34: {  	[tilespmem:$0x61E0] =	vst v0  }
0x35: {  	[tilespmem:$0x61F0] =	vst v0  }
0x36: {  	[tilespmem:$0x6200] =	vst v0  }
0x37: {  	[tilespmem:$0x6210] =	vst v0  }
0x38: {  	[tilespmem:$0x6220] =	vst v0  }
0x39: {  	[tilespmem:$0x6230] =	vst v0  }
0x3a: {  	[tilespmem:$0x6240] =	vst v0  }
0x3b: {  	[tilespmem:$0x6250] =	vst v0  }
0x3c: {  	[tilespmem:$0x6260] =	vst v0  }
0x3d: {  	_ =	swait.ge [sflag:s12], $0x2000  }
0x3e: {  	[sflag:s12] =	ssyncset.done $0x0  }
0x3f: {  	[sflag:s12] =	ssyncadd.s32 $0xFFFFE000  }
0x40: {  	_ =	swait.ge [sflag:s12], $0x2000  }
0x41: {  	[sflag:s12] =	ssyncset.done $0x0  }
0x42: {  	[sflag:s12] =	ssyncadd.s32 $0xFFFFE000  }
0x43: {  	s18 =	sadd.s32 $0x0, s8;
	_ =	swait.ge [sflag:s12], $0x2000  }
0x44: {  	s19 =	sand.u32 $0x3800, s9;
	s18 =	sand.u32 $0x380, s18;
	[sflag:s12] =	ssyncset.done $0x0  }
0x45: {  	s18 =	sor.u32 s18, s19;
	[sflag:s12] =	ssyncadd.s32 $0xFFFFE000  }
0x46: {  	v2 =	vld [tilespmem:s18+$0x40]  }
0x47: {  	v3 =	vld [tilespmem:s18+$0x4040]  }
0x48: {  	v4 =	vld [tilespmem:s18+$0x4050]  }
0x49: {  	v5 =	vld [tilespmem:s18+$0x2060]  }
0x4a: {  	v6 =	vld [tilespmem:s18+$0x4020]  }
0x4b: {  	v7 =	vld [tilespmem:s18+$0x2010]  }
0x4c: {  	v8 =	vld [tilespmem:s18+$0x60]  }
0x4d: {  	v9 =	vld [tilespmem:s18+$0x4000]  }
0x4e: {  	v10 =	vld [tilespmem:s18+$0x30]  }
0x4f: {  	v11 =	vld [tilespmem:s18+$0x10]  }
0x50: {  	v12 =	vld [tilespmem:s18+$0x20]  }
0x51: {  	v13 =	vld [tilespmem:s18+$0x2000]  }
0x52: {  	v14 =	vld [tilespmem:s18+$0x0]  }
0x53: {  	v15 =	vld [tilespmem:s18+$0x2050]  }
0x54: {  	v16 =	vld [tilespmem:s18+$0x4010]  }
0x55: {  	v17 =	vld [tilespmem:s18+$0x2030]  }
0x56: {  	v18 =	vld [tilespmem:s18+$0x2020]  }
0x57: {  	v19 =	vld [tilespmem:s18+$0x4030];
	v20 =	vadd.s32 $0xD0, v14  }
0x58: {  	v21 =	vld [tilespmem:s18+$0x50];
	v22 =	vadd.s32 $0x1A0, v14  }
0x59: {  	v23 =	vld [tilespmem:s18+$0x4060]  }
0x5a: {  	v25 =	vld [tilespmem:s18+$0x2040];
	v24 =	vadd.s32 $0xD0, v11  }
0x5b: {  	v26 =	vadd.s32 $0x1A0, v11;
	[tilespmem:v14+s13+$0x0] =	vst.idx.add.f32.msk $0xffff, v13  }
0x5c: {  	[tilespmem:v20+s13+$0x0] =	vst.idx.add.f32.msk $0xffff, v9  }
0x5d: {  	v51 =	vadd.s32 $0xD0, v12;
	[tilespmem:v22+s13+$0x0] =	vst.idx.add.f32.msk $0xffff, v1  }
0x5e: {  	[tilespmem:v11+s13+$0x0] =	vst.idx.add.f32.msk $0xffff, v7;
	v7 =	vadd.s32 $0x1A0, v12  }
0x5f: {  	[tilespmem:v24+s13+$0x0] =	vst.idx.add.f32.msk $0xffff, v16  }
0x60: {  	v52 =	vadd.s32 $0xD0, v10;
	[tilespmem:v26+s13+$0x0] =	vst.idx.add.f32.msk $0xffff, v1  }
0x61: {  	v53 =	vadd.s32 $0x1A0, v10;
	[tilespmem:v12+s13+$0x0] =	vst.idx.add.f32.msk $0xffff, v18  }
0x62: {  	[tilespmem:v51+s13+$0x0] =	vst.idx.add.f32.msk $0xffff, v6  }
0x63: {  	v6 =	vadd.s32 $0xD0, v2;
	[tilespmem:v7+s13+$0x0] =	vst.idx.add.f32.msk $0xffff, v1  }
0x64: {  	v7 =	vadd.s32 $0x1A0, v2;
	[tilespmem:v10+s13+$0x0] =	vst.idx.add.f32.msk $0xffff, v17  }
0x65: {  	[tilespmem:v52+s13+$0x0] =	vst.idx.add.f32.msk $0xffff, v19  }
0x66: {  	v54 =	vadd.s32 $0xD0, v21;
	[tilespmem:v53+s13+$0x0] =	vst.idx.add.f32.msk $0xffff, v1  }
0x67: {  	[tilespmem:v2+s13+$0x0] =	vst.idx.add.f32.msk $0xffff, v25;
	v2 =	vadd.s32 $0x1A0, v21  }
0x68: {  	[tilespmem:v6+s13+$0x0] =	vst.idx.add.f32.msk $0xffff, v3  }
0x69: {  	v3 =	vadd.s32 $0xD0, v8;
	[tilespmem:v7+s13+$0x0] =	vst.idx.add.f32.msk $0xffff, v1  }
0x6a: {  	v6 =	vadd.s32 $0x1A0, v8;
	[tilespmem:v21+s13+$0x0] =	vst.idx.add.f32.msk $0xffff, v15  }
0x6b: {  	[tilespmem:v54+s13+$0x0] =	vst.idx.add.f32.msk $0xffff, v4  }
0x6c: {  	[tilespmem:v2+s13+$0x0] =	vst.idx.add.f32.msk $0xffff, v1  }
0x6d: {  	[tilespmem:v8+s13+$0x0] =	vst.idx.add.f32.msk $0xffff, v5  }
0x6e: {  	[tilespmem:v3+s13+$0x0] =	vst.idx.add.f32.msk $0xffff, v23  }
0x6f: {  	[tilespmem:v6+s13+$0x0] =	vst.idx.add.f32.msk $0xffff, v1  }
0x70: {  	v5 =	vld [tilespmem:s18+$0x4430]  }
0x71: {  	v2 =	vld [tilespmem:s18+$0x4450]  }
0x72: {  	v6 =	vld [tilespmem:s18+$0x2400]  }
0x73: {  	v7 =	vld [tilespmem:s18+$0x4440]  }
0x74: {  	v8 =	vld [tilespmem:s18+$0x4420]  }
0x75: {  	v9 =	vld [tilespmem:s18+$0x400]  }
0x76: {  	v10 =	vld [tilespmem:s18+$0x4410]  }
0x77: {  	v3 =	vld [tilespmem:s18+$0x2450]  }
0x78: {  	v11 =	vld [tilespmem:s18+$0x2430]  }
0x79: {  	v12 =	vld [tilespmem:s18+$0x2440]  }
0x7a: {  	v13 =	vld [tilespmem:s18+$0x4400]  }
0x7b: {  	v14 =	vld [tilespmem:s18+$0x2420]  }
0x7c: {  	v15 =	vld [tilespmem:s18+$0x70]  }
0x7d: {  	v16 =	vld [tilespmem:s18+$0x4070]  }
0x7e: {  	v17 =	vld [tilespmem:s18+$0x2070]  }
0x7f: {  	v18 =	vld [tilespmem:s18+$0x440]  }
0x80: {  	v19 =	vld [tilespmem:s18+$0x430]  }
0x81: {  	v20 =	vld [tilespmem:s18+$0x410];
	v55 =	vadd.s32 $0xD0, v15  }
0x82: {  	v22 =	vld [tilespmem:s18+$0x420];
	v56 =	vadd.s32 $0x1A0, v15  }
0x83: {  	v24 =	vld [tilespmem:s18+$0x2410]  }
0x84: {  	v4 =	vld [tilespmem:s18+$0x450];
	v57 =	vadd.s32 $0xD0, v9  }
0x85: {  	v58 =	vadd.s32 $0x1A0, v9;
	[tilespmem:v15+s13+$0x0] =	vst.idx.add.f32.msk $0xffff, v17  }
0x86: {  	[tilespmem:v55+s13+$0x0] =	vst.idx.add.f32.msk $0xffff, v16  }
0x87: {  	v59 =	vadd.s32 $0xD0, v20;
	[tilespmem:v56+s13+$0x0] =	vst.idx.add.f32.msk $0xffff, v1  }
0x88: {  	v60 =	vadd.s32 $0x1A0, v20;
	[tilespmem:v9+s13+$0x0] =	vst.idx.add.f32.msk $0xffff, v6  }
0x89: {  	[tilespmem:v57+s13+$0x0] =	vst.idx.add.f32.msk $0xffff, v13  }
0x8a: {  	v6 =	vadd.s32 $0xD0, v22;
	[tilespmem:v58+s13+$0x0] =	vst.idx.add.f32.msk $0xffff, v1  }
0x8b: {  	v61 =	vadd.s32 $0x1A0, v22;
	[tilespmem:v20+s13+$0x0] =	vst.idx.add.f32.msk $0xffff, v24  }
0x8c: {  	[tilespmem:v59+s13+$0x0] =	vst.idx.add.f32.msk $0xffff, v10  }
0x8d: {  	v62 =	vadd.s32 $0xD0, v19;
	[tilespmem:v60+s13+$0x0] =	vst.idx.add.f32.msk $0xffff, v1  }
0x8e: {  	v63 =	vadd.s32 $0x1A0, v19;
	[tilespmem:v22+s13+$0x0] =	vst.idx.add.f32.msk $0xffff, v14  }
0x8f: {  	[tilespmem:v6+s13+$0x0] =	vst.idx.add.f32.msk $0xffff, v8  }
0x90: {  	v6 =	vadd.s32 $0xD0, v18;
	[tilespmem:v61+s13+$0x0] =	vst.idx.add.f32.msk $0xffff, v1  }
0x91: {  	v8 =	vadd.s32 $0x1A0, v18;
	[tilespmem:v19+s13+$0x0] =	vst.idx.add.f32.msk $0xffff, v11  }
0x92: {  	[tilespmem:v62+s13+$0x0] =	vst.idx.add.f32.msk $0xffff, v5  }
0x93: {  	[tilespmem:v63+s13+$0x0] =	vst.idx.add.f32.msk $0xffff, v1  }
0x94: {  	v5 =	vadd.s32 $0xD0, v4;
	[tilespmem:v18+s13+$0x0] =	vst.idx.add.f32.msk $0xffff, v12  }
0x95: {  	[tilespmem:v6+s13+$0x0] =	vst.idx.add.f32.msk $0xffff, v7;
	v6 =	vadd.s32 $0x1A0, v4  }
0x96: {  	s20 =	simm.s32 $0x80;
	s18 =	smov.u32 s9;
	[tilespmem:v8+s13+$0x0] =	vst.idx.add.f32.msk $0xffff, v1  }
.LBB2_2:
0x97: {  	s19 =	smov.u32 s20  }
0x98: {  	s21 =	sadd.s32 s20, s8;
	[tilespmem:v4+s13+$0x0] =	vst.idx.add.f32.msk $0xffff, v3;
	s18 =	sadd.s32 $0x100, s18;
	s19 =	sadd.s32 $0x80, s20  }
0x99: {  	p0 =	sne.s32 s20, $0xD80;
	s22 =	sand.u32 $0x3800, s18;
	s21 =	sand.u32 $0x380, s21;
	[tilespmem:v5+s13+$0x0] =	vst.idx.add.f32.msk $0xffff, v2  }
0x9a: {  	s20 =	sor.u32 s21, s22;
	[tilespmem:v6+s13+$0x0] =	vst.idx.add.f32.msk $0xffff, v1  }
0x9b: {  	v2 =	vld [tilespmem:s20+$0x40]  }
0x9c: {  	v3 =	vld [tilespmem:s20+$0x4040]  }
0x9d: {  	v4 =	vld [tilespmem:s20+$0x4050]  }
0x9e: {  	v5 =	vld [tilespmem:s20+$0x2060]  }
0x9f: {  	v6 =	vld [tilespmem:s20+$0x4020]  }
0xa0: {  	v7 =	vld [tilespmem:s20+$0x2010]  }
0xa1: {  	v8 =	vld [tilespmem:s20+$0x60]  }
0xa2: {  	v9 =	vld [tilespmem:s20+$0x4000]  }
0xa3: {  	v10 =	vld [tilespmem:s20+$0x30]  }
0xa4: {  	v11 =	vld [tilespmem:s20+$0x10]  }
0xa5: {  	v12 =	vld [tilespmem:s20+$0x20]  }
0xa6: {  	v13 =	vld [tilespmem:s20+$0x2000]  }
0xa7: {  	v14 =	vld [tilespmem:s20+$0x0]  }
0xa8: {  	v15 =	vld [tilespmem:s20+$0x2050]  }
0xa9: {  	v16 =	vld [tilespmem:s20+$0x4010];
	v17 =	vadd.s32 $0xD0, v11  }
0xaa: {  	v18 =	vld [tilespmem:s20+$0x2030]  }
0xab: {  	v19 =	vld [tilespmem:s20+$0x2020]  }
0xac: {  	v22 =	vadd.s32 $0x1A0, v11;
	v20 =	vld [tilespmem:s20+$0x4030];
	v21 =	vadd.s32 $0xD0, v14  }
0xad: {  	v24 =	vadd.s32 $0x1A0, v14;
	v23 =	vld [tilespmem:s20+$0x50]  }
0xae: {  	v25 =	vld [tilespmem:s20+$0x4060]  }
0xaf: {  	v26 =	vld [tilespmem:s20+$0x2040]  }
0xb0: {  	[tilespmem:v14+s13+$0x0] =	vst.idx.add.f32.msk $0xffff, v13  }
0xb1: {  	[tilespmem:v21+s13+$0x0] =	vst.idx.add.f32.msk $0xffff, v9;
	v9 =	vadd.s32 $0xD0, v12  }
0xb2: {  	[tilespmem:v24+s13+$0x0] =	vst.idx.add.f32.msk $0xffff, v1  }
0xb3: {  	[tilespmem:v11+s13+$0x0] =	vst.idx.add.f32.msk $0xffff, v7;
	v7 =	vadd.s32 $0x1A0, v12  }
0xb4: {  	[tilespmem:v17+s13+$0x0] =	vst.idx.add.f32.msk $0xffff, v16  }
0xb5: {  	v11 =	vadd.s32 $0xD0, v10;
	[tilespmem:v22+s13+$0x0] =	vst.idx.add.f32.msk $0xffff, v1  }
0xb6: {  	[tilespmem:v12+s13+$0x0] =	vst.idx.add.f32.msk $0xffff, v19;
	v12 =	vadd.s32 $0x1A0, v10  }
0xb7: {  	[tilespmem:v9+s13+$0x0] =	vst.idx.add.f32.msk $0xffff, v6  }
0xb8: {  	v6 =	vadd.s32 $0xD0, v2;
	[tilespmem:v7+s13+$0x0] =	vst.idx.add.f32.msk $0xffff, v1  }
0xb9: {  	v7 =	vadd.s32 $0x1A0, v2;
	[tilespmem:v10+s13+$0x0] =	vst.idx.add.f32.msk $0xffff, v18  }
0xba: {  	v9 =	vadd.s32 $0xD0, v23;
	[tilespmem:v11+s13+$0x0] =	vst.idx.add.f32.msk $0xffff, v20  }
0xbb: {  	[tilespmem:v12+s13+$0x0] =	vst.idx.add.f32.msk $0xffff, v1  }
0xbc: {  	[tilespmem:v2+s13+$0x0] =	vst.idx.add.f32.msk $0xffff, v26;
	v2 =	vadd.s32 $0x1A0, v23  }
0xbd: {  	[tilespmem:v6+s13+$0x0] =	vst.idx.add.f32.msk $0xffff, v3  }
0xbe: {  	v3 =	vadd.s32 $0xD0, v8;
	[tilespmem:v7+s13+$0x0] =	vst.idx.add.f32.msk $0xffff, v1  }
0xbf: {  	v6 =	vadd.s32 $0x1A0, v8;
	[tilespmem:v23+s13+$0x0] =	vst.idx.add.f32.msk $0xffff, v15  }
0xc0: {  	[tilespmem:v9+s13+$0x0] =	vst.idx.add.f32.msk $0xffff, v4  }
0xc1: {  	[tilespmem:v2+s13+$0x0] =	vst.idx.add.f32.msk $0xffff, v1  }
0xc2: {  	[tilespmem:v8+s13+$0x0] =	vst.idx.add.f32.msk $0xffff, v5  }
0xc3: {  	[tilespmem:v3+s13+$0x0] =	vst.idx.add.f32.msk $0xffff, v25  }
0xc4: {  	[tilespmem:v6+s13+$0x0] =	vst.idx.add.f32.msk $0xffff, v1  }
0xc5: {  	v5 =	vld [tilespmem:s20+$0x4430]  }
0xc6: {  	v2 =	vld [tilespmem:s20+$0x4450]  }
0xc7: {  	v6 =	vld [tilespmem:s20+$0x2400]  }
0xc8: {  	v7 =	vld [tilespmem:s20+$0x4440]  }
0xc9: {  	v8 =	vld [tilespmem:s20+$0x4420]  }
0xca: {  	v9 =	vld [tilespmem:s20+$0x400]  }
0xcb: {  	v10 =	vld [tilespmem:s20+$0x4410]  }
0xcc: {  	v3 =	vld [tilespmem:s20+$0x2450]  }
0xcd: {  	v11 =	vld [tilespmem:s20+$0x2430]  }
0xce: {  	v12 =	vld [tilespmem:s20+$0x2440]  }
0xcf: {  	v13 =	vld [tilespmem:s20+$0x4400]  }
0xd0: {  	v14 =	vld [tilespmem:s20+$0x2420]  }
0xd1: {  	v15 =	vld [tilespmem:s20+$0x4070]  }
0xd2: {  	v16 =	vld [tilespmem:s20+$0x70]  }
0xd3: {  	v17 =	vld [tilespmem:s20+$0x2070]  }
0xd4: {  	v18 =	vld [tilespmem:s20+$0x440]  }
0xd5: {  	v19 =	vld [tilespmem:s20+$0x430]  }
0xd6: {  	v20 =	vld [tilespmem:s20+$0x410]  }
0xd7: {  	v21 =	vld [tilespmem:s20+$0x420];
	v22 =	vadd.s32 $0xD0, v16;
	v23 =	vadd.s32 $0x1A0, v16  }
0xd8: {  	v24 =	vld [tilespmem:s20+$0x2410]  }
0xd9: {  	v25 =	vadd.s32 $0xD0, v9;
	v4 =	vld [tilespmem:s20+$0x450]  }
0xda: {  	[tilespmem:v16+s13+$0x0] =	vst.idx.add.f32.msk $0xffff, v17;
	v16 =	vadd.s32 $0x1A0, v9  }
0xdb: {  	v17 =	vadd.s32 $0xD0, v20  }
0xdc: {  	[tilespmem:v22+s13+$0x0] =	vst.idx.add.f32.msk $0xffff, v15;
	v15 =	vadd.s32 $0x1A0, v20  }
0xdd: {  	[tilespmem:v23+s13+$0x0] =	vst.idx.add.f32.msk $0xffff, v1  }
0xde: {  	[tilespmem:v9+s13+$0x0] =	vst.idx.add.f32.msk $0xffff, v6;
	v6 =	vadd.s32 $0xD0, v21  }
0xdf: {  	v9 =	vadd.s32 $0x1A0, v21;
	[tilespmem:v25+s13+$0x0] =	vst.idx.add.f32.msk $0xffff, v13  }
0xe0: {  	[tilespmem:v16+s13+$0x0] =	vst.idx.add.f32.msk $0xffff, v1  }
0xe1: {  	v13 =	vadd.s32 $0xD0, v19;
	[tilespmem:v20+s13+$0x0] =	vst.idx.add.f32.msk $0xffff, v24  }
0xe2: {  	[tilespmem:v17+s13+$0x0] =	vst.idx.add.f32.msk $0xffff, v10;
	v10 =	vadd.s32 $0x1A0, v19  }
0xe3: {  	[tilespmem:v15+s13+$0x0] =	vst.idx.add.f32.msk $0xffff, v1  }
0xe4: {  	[tilespmem:v21+s13+$0x0] =	vst.idx.add.f32.msk $0xffff, v14  }
0xe5: {  	[tilespmem:v6+s13+$0x0] =	vst.idx.add.f32.msk $0xffff, v8;
	v8 =	vadd.s32 $0xD0, v18  }
0xe6: {  	[tilespmem:v9+s13+$0x0] =	vst.idx.add.f32.msk $0xffff, v1;
	v9 =	vadd.s32 $0x1A0, v18  }
0xe7: {  	[tilespmem:v19+s13+$0x0] =	vst.idx.add.f32.msk $0xffff, v11  }
.Ltmp0:
0xe8: {  	[tilespmem:v13+s13+$0x0] =	vst.idx.add.f32.msk $0xffff, v5;
	v5 =	vadd.s32 $0xD0, v4;
	(pc) =	sbr.rel @p0 .LBB2_2-.Ltmp0, $4  }
0xe9: {  	v6 =	vadd.s32 $0x1A0, v4;
	[tilespmem:v10+s13+$0x0] =	vst.idx.add.f32.msk $0xffff, v1  }
0xea: {  	[tilespmem:v18+s13+$0x0] =	vst.idx.add.f32.msk $0xffff, v12  }
0xeb: {  	[tilespmem:v8+s13+$0x0] =	vst.idx.add.f32.msk $0xffff, v7  }
0xec: {  	s20 =	smov.u32 s19;
	[tilespmem:v9+s13+$0x0] =	vst.idx.add.f32.msk $0xffff, v1  }
0xed: {  	_ =	sdelay $0x3  }
0xee: {  	[tilespmem:v4+s13+$0x0] =	vst.idx.add.f32.msk $0xffff, v3;
	s17 =	sadd.s32 $0x1, s17  }
0xef: {  	[tilespmem:v5+s13+$0x0] =	vst.idx.add.f32.msk $0xffff, v2;
	p0 =	sne.s32 s17, s7  }
.Ltmp1:
0xf0: {  	[tilespmem:v6+s13+$0x0] =	vst.idx.add.f32.msk $0xffff, v1;
	(pc) =	sbr.rel @p0 .LBB2_1-.Ltmp1, $4  }
0xf1: {  	[hbm4b:s6+s14] =	stream.strided.scatter [tilespmem:s13], [sflag:$0x2], $0x280, s15, s14, $0x38;
	[tilespmem:$0x6280] =	vst v63  }
0xf2: {  	_ =	swait.ge [sflag:s16], $0x280  }
0xf3: {  	[sflag:s16] =	ssyncset.done $0x0  }
0xf4: {  	[sflag:s16] =	ssyncadd.s32 $0xFFFFFD80  }
0xf5: {  	_ =	sfence.sel $0x180000  }
0xf6: {  	[bflag:$0x0] =	sbarrier.arrive $0xFFFF  }
0xf7: {  	p0 =	sne.s32 s0, $0x0;
	_ =	strace $0x90000047  }
0xf8: {  	s0 =	sadd.s32 @!p0 $0x100000, s1;
	[bflag:$0x2] =	sbarrier.arrive $0xFFFF  }
0xf9: {  	[sflag:s0] =	ssyncadd.tile.s32 @!p0 $0x1;
	_ =	shalt  }
.Lfunc_end2:
_tile_overlayer_lowered:
.L_overlay_start_2:
0xfa: {  	(tag) =	ssettag $0x2  }
0xfb: {  	s0 =	rddreg [dreg:$0x0];
	s2 =	stileid.u32  }
0xfc: {  	s1 =	rddreg [dreg:$0x1];
	p0 =	sne.s32 s2, $0x0  }
0xfd: {  	s3 =	rddreg [dreg:$0x2];
	[bflag:$0x3] =	sbarrier.arrive $0xFFFF;
	s2 =	simm.s32 @!p0 $0x1C02  }
0xfe: {  	[timem:s3], [sflag:s2] =	dma.local @!p0 [hbm:s0], s1  }
0xff: {  	s0 =	simm.s32 @!p0 $0x2  }
0x100: {  	_ =	swait.ge @!p0 [sflag:s0], s1  }
0x101: {  	s1 =	ssub.s32 @!p0 $0x0, s1;
	[sflag:s0] =	ssyncset.done @!p0 $0x0  }
0x102: {  	[sflag:s0] =	ssyncadd.s32 @!p0 s1  }
0x103: {  	[bflag:$0x3] =	sbarrier.arrive $0xFFFF  }
0x104: {  	_ =	shalt  }

</sc_bundles>
